<compile_context>
chip_gen: v7x
topology: tpu7x:2x2x1
jax: 0.10.2.dev20260603
libtpu: 0.0.44.dev20260713+nightly
codegen_flags: <defaults>
</compile_context>

<pallas_src>
import functools

import numpy as np
import jax
import jax.numpy as jnp
from jax import lax
from jax.experimental import pallas as pl
from jax.experimental.pallas import tpu as pltpu
from jax.experimental.pallas import tpu_sc as plsc

H = 224
W = 224
N = H * W
NPHASE = 8
Q = N // NPHASE
NBAND = 4
LANES = 16


def _zz_perm(h, w):
    idx = []
    for s in range(h + w - 1):
        if s % 2 == 0:
            for i in range(min(s, h - 1), max(0, s - w + 1) - 1, -1):
                j = s - i
                if j < w:
                    idx.append(i * w + j)
        else:
            for i in range(max(0, s - w + 1), min(s, h - 1) + 1):
                j = s - i
                if j < w:
                    idx.append(i * w + j)
    return np.array(idx, dtype=np.int32)


@functools.cache
def _tables():
    perm = _zz_perm(H, W)
    min_row, max_row = [], []
    for q in range(NPHASE):
        rows = perm[q * Q:(q + 1) * Q] // W
        min_row.append(int(rows.min()))
        max_row.append(int(rows.max()))
    suffix_min = [min(min_row[q + 1:], default=H) for q in range(NPHASE)]
    b1 = suffix_min[NPHASE - 3]
    b2 = suffix_min[NPHASE - 2]
    bb = [0, b1, b2, (b2 + H) // 2, H]
    assert all(bb[i] < bb[i + 1] for i in range(NBAND))
    bands_needed = [next(i for i in range(NBAND) if max_row[q] < bb[i + 1]) + 1
                    for q in range(NPHASE)]
    prefetch_at = []
    for b in range(NBAND):
        ok = [q for q in range(NPHASE) if suffix_min[q] >= bb[b + 1]]
        prefetch_at.append(ok[0] if ok else None)
    return perm, bb, bands_needed, prefetch_at


def _sc_reorder(x2, perm, rows):
    info = plsc.get_sparse_core_info()
    nw = info.num_cores * info.num_subcores
    ipw = rows // nw

    mesh = plsc.VectorSubcoreMesh(core_axis_name="c", subcore_axis_name="s")
    _, bb, bands_needed, prefetch_at = _tables()
    late_bands = [b for b in range(NBAND) if prefetch_at[b] is None]
    early_bands = [b for b in range(NBAND) if prefetch_at[b] is not None]

    @functools.partial(
        pl.kernel,
        out_type=jax.ShapeDtypeStruct((rows, N), jnp.float32),
        mesh=mesh,
        compiler_params=pltpu.CompilerParams(
            needs_layout_passes=False, use_tc_tiling_on_sc=False),
        scratch_types=[
            pltpu.VMEM((N,), jnp.float32),
            pltpu.VMEM((N,), jnp.int32),
            pltpu.VMEM((Q,), jnp.float32),
            pltpu.VMEM((Q,), jnp.float32),
            pltpu.SemaphoreType.DMA,
            pltpu.SemaphoreType.DMA,
        ],
    )
    def zz(x_hbm, perm_hbm, out_hbm, staged, tbl_v, outa, outb, gsem, osem):
        cid = lax.axis_index("c")
        sid = lax.axis_index("s")
        wid = sid * info.num_cores + cid
        img0 = wid * ipw
        pltpu.sync_copy(perm_hbm, tbl_v)
        outs = [outa, outb]

        def fire_band(img, b):
            sl = pl.ds(bb[b] * W, (bb[b + 1] - bb[b]) * W)
            pltpu.async_copy(x_hbm.at[img, sl], staged.at[sl], gsem)

        def wait_band(b):
            sl = pl.ds(bb[b] * W, (bb[b + 1] - bb[b]) * W)
            pltpu.make_async_copy(
                x_hbm.at[0, sl], staged.at[sl], gsem).wait()

        def drain_put(q):
            sl = pl.ds(q * Q, Q)
            pltpu.make_async_copy(
                out_hbm.at[0, sl], outs[q % 2], osem).wait()

        def per_image(t, carry):
            img = img0 + t
            nxt = jnp.minimum(img + 1, rows - 1)
            for b in late_bands:
                fire_band(img, b)
            waited = 0
            for q in range(NPHASE):
                for b in range(waited, bands_needed[q]):
                    wait_band(b)
                waited = max(waited, bands_needed[q])
                if q >= 2:
                    drain_put(q - 2)
                out_v = outs[q % 2]

                @plsc.parallel_loop(0, Q // LANES, 1, unroll=8)
                def _(k):
                    gidx = tbl_v[pl.ds(q * Q + k * LANES, LANES)]
                    out_v[pl.ds(k * LANES, LANES)] = plsc.load_gather(
                        staged, [gidx])

                pltpu.async_copy(out_v, out_hbm.at[img, pl.ds(q * Q, Q)],
                                 osem)
                for b in early_bands:
                    if prefetch_at[b] == q:
                        fire_band(nxt, b)
            drain_put(NPHASE - 2)
            drain_put(NPHASE - 1)
            return carry

        for b in early_bands:
            fire_band(img0, b)
        lax.fori_loop(0, ipw, per_image, 0)
        for b in early_bands:
            wait_band(b)

    return zz(x2, perm)


def kernel(x):
    B, C, h, w = x.shape
    rows = B * C
    perm_np = _tables()[0]
    x2 = x.reshape(rows, N)
    out = _sc_reorder(x2, jnp.asarray(perm_np), rows)
    return out.reshape(B, C, h, w)

# --- scband reference (transcript-rebuilt; emitter-appended) ---
"""Pipeline reference for scband-zigzag-reorder-35089882808551 (READ-ONLY COPY).

The authoritative reference and input builder live on the scoring server;
editing this copy changes nothing except your own understanding.
"""

import jax, jax.numpy as jnp
import numpy as np


def _zigzag_indices(h, w):
    indices = []
    for s in range(h + w - 1):
        if s % 2 == 0:
            for i in range(min(s, h - 1), max(0, s - w + 1) - 1, -1):
                j = s - i
                if j < w:
                    indices.append(i * w + j)
        else:
            for i in range(max(0, s - w + 1), min(s, h - 1) + 1):
                j = s - i
                if j < w:
                    indices.append(i * w + j)
    return np.array(indices, dtype=np.int32)


def setup_inputs(seed: int = 0) -> dict:
    key = jax.random.key(seed)
    x = jax.random.normal(key, (8, 96, 224, 224), dtype=jnp.float32)
    return {"x": x}


def reference(x):
    B, C, H, W = x.shape
    idx = jnp.asarray(_zigzag_indices(H, W))
    x_flat = x.reshape(B, C, H * W)
    x_reordered = jnp.take(x_flat, idx, axis=2)
    return x_reordered.reshape(B, C, H, W)

if __name__ == "__main__":
    import jax
    _d = setup_inputs()
    print(jax.jit(kernel)(*tuple(_d.values())))

</pallas_src>

<mosaic_0001>
#map = affine_map<(d0, d1) -> (0, 0)>
#map1 = affine_map<(d0, d1) -> (0)>
module attributes {stable_mosaic.version = 14 : i64} {
  func.func @zz(%arg0: i32, %arg1: i32, %arg2: memref<768x50176xf32, #tpu.memory_space<hbm>>, %arg3: memref<50176xi32, #tpu.memory_space<hbm>>, %arg4: memref<768x50176xf32, #tpu.memory_space<hbm>>, %arg5: memref<50176xf32, #tpu.memory_space<vmem>>, %arg6: memref<50176xi32, #tpu.memory_space<vmem>>, %arg7: memref<6272xf32, #tpu.memory_space<vmem>>, %arg8: memref<6272xf32, #tpu.memory_space<vmem>>, %arg9: memref<!tpu.dma_semaphore, #tpu.memory_space<semaphore_mem>>, %arg10: memref<!tpu.dma_semaphore, #tpu.memory_space<semaphore_mem>>) attributes {dimension_semantics = [#tpu.dimension_semantics<core_parallel>, #tpu.dimension_semantics<subcore_parallel>], iteration_bounds = array<i64: 2, 16>, scalar_prefetch = 0 : i64, scratch_operands = 6 : i64, tpu.core_type = #tpu.core_type<sc_vector_subcore>, window_params = [{transform_indices = #map}, {transform_indices = #map1}, {transform_indices = #map}]} {
    %mul3A = arith.constant 2 : i32
    %mul3A_0 = arith.muli %arg1, %mul3A : i32
    %add3A = arith.addi %mul3A_0, %arg0 : i32
    %mul3A_1 = arith.constant 24 : i32
    %mul3A_2 = arith.muli %add3A, %mul3A_1 : i32
    "tpu.region"() ({
      %run_scoped3A = tpu.sem_alloc : memref<!tpu.dma_semaphore, #tpu.memory_space<semaphore_mem>>
      tpu.enqueue_dma source(%arg3 : memref<50176xi32, #tpu.memory_space<hbm>>) target(%arg6 : memref<50176xi32, #tpu.memory_space<vmem>>) target_semaphore(%run_scoped3A : memref<!tpu.dma_semaphore, #tpu.memory_space<semaphore_mem>>)
      tpu.wait_dma2 semaphore(%run_scoped3A : memref<!tpu.dma_semaphore, #tpu.memory_space<semaphore_mem>>) src(%arg3 : memref<50176xi32, #tpu.memory_space<hbm>>) dst(%arg6 : memref<50176xi32, #tpu.memory_space<vmem>>)
      tpu.yield
    }) : () -> ()
    %dma_start3A = arith.constant 0 : i32
    %dma_start3A_3 = tpu.memref_slice %arg5[%dma_start3A] : memref<50176xf32, #tpu.memory_space<vmem>> -> memref<15008xf32, #tpu.memory_space<vmem>>
    %dma_start3A_4 = arith.constant 0 : i32
    %dma_start3A_5 = tpu.memref_slice %arg2[%mul3A_2, %dma_start3A_4] : memref<768x50176xf32, #tpu.memory_space<hbm>> -> memref<1x15008xf32, #tpu.memory_space<hbm>>
    %dma_start3A_6 = tpu.memref_squeeze %dma_start3A_5 : memref<1x15008xf32, #tpu.memory_space<hbm>> -> memref<15008xf32, #tpu.memory_space<hbm>>
    %dma_start3A_7 = arith.constant 0 : i32
    %dma_start3A_8 = tpu.memref_slice %arg5[%dma_start3A_7] : memref<50176xf32, #tpu.memory_space<vmem>> -> memref<15008xf32, #tpu.memory_space<vmem>>
    %dma_start3A_9 = arith.constant 0 : i32
    %dma_start3A_10 = tpu.memref_slice %arg2[%mul3A_2, %dma_start3A_9] : memref<768x50176xf32, #tpu.memory_space<hbm>> -> memref<1x15008xf32, #tpu.memory_space<hbm>>
    %dma_start3A_11 = tpu.memref_squeeze %dma_start3A_10 : memref<1x15008xf32, #tpu.memory_space<hbm>> -> memref<15008xf32, #tpu.memory_space<hbm>>
    tpu.enqueue_dma source(%dma_start3A_11 : memref<15008xf32, #tpu.memory_space<hbm>>) target(%dma_start3A_8 : memref<15008xf32, #tpu.memory_space<vmem>>) target_semaphore(%arg9 : memref<!tpu.dma_semaphore, #tpu.memory_space<semaphore_mem>>)
    %dma_start3A_12 = arith.constant 15008 : i32
    %dma_start3A_13 = tpu.memref_slice %arg5[%dma_start3A_12] : memref<50176xf32, #tpu.memory_space<vmem>> -> memref<10304xf32, #tpu.memory_space<vmem>>
    %dma_start3A_14 = arith.constant 15008 : i32
    %dma_start3A_15 = tpu.memref_slice %arg2[%mul3A_2, %dma_start3A_14] : memref<768x50176xf32, #tpu.memory_space<hbm>> -> memref<1x10304xf32, #tpu.memory_space<hbm>>
    %dma_start3A_16 = tpu.memref_squeeze %dma_start3A_15 : memref<1x10304xf32, #tpu.memory_space<hbm>> -> memref<10304xf32, #tpu.memory_space<hbm>>
    %dma_start3A_17 = arith.constant 15008 : i32
    %dma_start3A_18 = tpu.memref_slice %arg5[%dma_start3A_17] : memref<50176xf32, #tpu.memory_space<vmem>> -> memref<10304xf32, #tpu.memory_space<vmem>>
    %dma_start3A_19 = arith.constant 15008 : i32
    %dma_start3A_20 = tpu.memref_slice %arg2[%mul3A_2, %dma_start3A_19] : memref<768x50176xf32, #tpu.memory_space<hbm>> -> memref<1x10304xf32, #tpu.memory_space<hbm>>
    %dma_start3A_21 = tpu.memref_squeeze %dma_start3A_20 : memref<1x10304xf32, #tpu.memory_space<hbm>> -> memref<10304xf32, #tpu.memory_space<hbm>>
    tpu.enqueue_dma source(%dma_start3A_21 : memref<10304xf32, #tpu.memory_space<hbm>>) target(%dma_start3A_18 : memref<10304xf32, #tpu.memory_space<vmem>>) target_semaphore(%arg9 : memref<!tpu.dma_semaphore, #tpu.memory_space<semaphore_mem>>)
    %dma_start3A_22 = arith.constant 25312 : i32
    %dma_start3A_23 = tpu.memref_slice %arg5[%dma_start3A_22] : memref<50176xf32, #tpu.memory_space<vmem>> -> memref<12320xf32, #tpu.memory_space<vmem>>
    %dma_start3A_24 = arith.constant 25312 : i32
    %dma_start3A_25 = tpu.memref_slice %arg2[%mul3A_2, %dma_start3A_24] : memref<768x50176xf32, #tpu.memory_space<hbm>> -> memref<1x12320xf32, #tpu.memory_space<hbm>>
    %dma_start3A_26 = tpu.memref_squeeze %dma_start3A_25 : memref<1x12320xf32, #tpu.memory_space<hbm>> -> memref<12320xf32, #tpu.memory_space<hbm>>
    %dma_start3A_27 = arith.constant 25312 : i32
    %dma_start3A_28 = tpu.memref_slice %arg5[%dma_start3A_27] : memref<50176xf32, #tpu.memory_space<vmem>> -> memref<12320xf32, #tpu.memory_space<vmem>>
    %dma_start3A_29 = arith.constant 25312 : i32
    %dma_start3A_30 = tpu.memref_slice %arg2[%mul3A_2, %dma_start3A_29] : memref<768x50176xf32, #tpu.memory_space<hbm>> -> memref<1x12320xf32, #tpu.memory_space<hbm>>
    %dma_start3A_31 = tpu.memref_squeeze %dma_start3A_30 : memref<1x12320xf32, #tpu.memory_space<hbm>> -> memref<12320xf32, #tpu.memory_space<hbm>>
    tpu.enqueue_dma source(%dma_start3A_31 : memref<12320xf32, #tpu.memory_space<hbm>>) target(%dma_start3A_28 : memref<12320xf32, #tpu.memory_space<vmem>>) target_semaphore(%arg9 : memref<!tpu.dma_semaphore, #tpu.memory_space<semaphore_mem>>)
    %dma_start3A_32 = arith.constant 37632 : i32
    %dma_start3A_33 = tpu.memref_slice %arg5[%dma_start3A_32] : memref<50176xf32, #tpu.memory_space<vmem>> -> memref<12544xf32, #tpu.memory_space<vmem>>
    %dma_start3A_34 = arith.constant 37632 : i32
    %dma_start3A_35 = tpu.memref_slice %arg2[%mul3A_2, %dma_start3A_34] : memref<768x50176xf32, #tpu.memory_space<hbm>> -> memref<1x12544xf32, #tpu.memory_space<hbm>>
    %dma_start3A_36 = tpu.memref_squeeze %dma_start3A_35 : memref<1x12544xf32, #tpu.memory_space<hbm>> -> memref<12544xf32, #tpu.memory_space<hbm>>
    %dma_start3A_37 = arith.constant 37632 : i32
    %dma_start3A_38 = tpu.memref_slice %arg5[%dma_start3A_37] : memref<50176xf32, #tpu.memory_space<vmem>> -> memref<12544xf32, #tpu.memory_space<vmem>>
    %dma_start3A_39 = arith.constant 37632 : i32
    %dma_start3A_40 = tpu.memref_slice %arg2[%mul3A_2, %dma_start3A_39] : memref<768x50176xf32, #tpu.memory_space<hbm>> -> memref<1x12544xf32, #tpu.memory_space<hbm>>
    %dma_start3A_41 = tpu.memref_squeeze %dma_start3A_40 : memref<1x12544xf32, #tpu.memory_space<hbm>> -> memref<12544xf32, #tpu.memory_space<hbm>>
    tpu.enqueue_dma source(%dma_start3A_41 : memref<12544xf32, #tpu.memory_space<hbm>>) target(%dma_start3A_38 : memref<12544xf32, #tpu.memory_space<vmem>>) target_semaphore(%arg9 : memref<!tpu.dma_semaphore, #tpu.memory_space<semaphore_mem>>)
    %scan3A = arith.constant 0 : i32
    %scan3A_42 = arith.constant 0 : i32
    %scan3A_43 = arith.constant 24 : i32
    %scan3A_44 = arith.addi %scan3A_42, %scan3A_43 : i32
    %scan3A_45 = arith.constant 1 : i32
    scf.for %scan3A_90 = %scan3A_42 to %scan3A_44 step %scan3A_45  : i32 {
      %add3A_91 = arith.addi %mul3A_2, %scan3A_90 : i32
      %add3A_92 = arith.constant 1 : i32
      %add3A_93 = arith.addi %add3A_91, %add3A_92 : i32
      %min3A = arith.constant 767 : i32
      %min3A_94 = arith.minsi %add3A_93, %min3A : i32
      %dma_wait3A_95 = arith.constant 0 : i32
      %dma_wait3A_96 = arith.constant 0 : i32
      %dma_wait3A_97 = tpu.memref_slice %arg5[%dma_wait3A_96] : memref<50176xf32, #tpu.memory_space<vmem>> -> memref<15008xf32, #tpu.memory_space<vmem>>
      %dma_wait3A_98 = arith.constant 0 : i32
      %dma_wait3A_99 = tpu.memref_slice %arg2[%dma_wait3A_95, %dma_wait3A_98] : memref<768x50176xf32, #tpu.memory_space<hbm>> -> memref<1x15008xf32, #tpu.memory_space<hbm>>
      %dma_wait3A_100 = tpu.memref_squeeze %dma_wait3A_99 : memref<1x15008xf32, #tpu.memory_space<hbm>> -> memref<15008xf32, #tpu.memory_space<hbm>>
      %dma_wait3A_101 = arith.constant 0 : i32
      %dma_wait3A_102 = tpu.memref_slice %arg5[%dma_wait3A_101] : memref<50176xf32, #tpu.memory_space<vmem>> -> memref<15008xf32, #tpu.memory_space<vmem>>
      %dma_wait3A_103 = arith.constant 0 : i32
      %dma_wait3A_104 = tpu.memref_slice %arg2[%dma_wait3A_95, %dma_wait3A_103] : memref<768x50176xf32, #tpu.memory_space<hbm>> -> memref<1x15008xf32, #tpu.memory_space<hbm>>
      %dma_wait3A_105 = tpu.memref_squeeze %dma_wait3A_104 : memref<1x15008xf32, #tpu.memory_space<hbm>> -> memref<15008xf32, #tpu.memory_space<hbm>>
      tpu.wait_dma2 semaphore(%arg9 : memref<!tpu.dma_semaphore, #tpu.memory_space<semaphore_mem>>) src(%dma_wait3A_105 : memref<15008xf32, #tpu.memory_space<hbm>>) dst(%dma_wait3A_102 : memref<15008xf32, #tpu.memory_space<vmem>>)
      %dma_wait3A_106 = arith.constant 0 : i32
      %dma_wait3A_107 = arith.constant 15008 : i32
      %dma_wait3A_108 = tpu.memref_slice %arg5[%dma_wait3A_107] : memref<50176xf32, #tpu.memory_space<vmem>> -> memref<10304xf32, #tpu.memory_space<vmem>>
      %dma_wait3A_109 = arith.constant 15008 : i32
      %dma_wait3A_110 = tpu.memref_slice %arg2[%dma_wait3A_106, %dma_wait3A_109] : memref<768x50176xf32, #tpu.memory_space<hbm>> -> memref<1x10304xf32, #tpu.memory_space<hbm>>
      %dma_wait3A_111 = tpu.memref_squeeze %dma_wait3A_110 : memref<1x10304xf32, #tpu.memory_space<hbm>> -> memref<10304xf32, #tpu.memory_space<hbm>>
      %dma_wait3A_112 = arith.constant 15008 : i32
      %dma_wait3A_113 = tpu.memref_slice %arg5[%dma_wait3A_112] : memref<50176xf32, #tpu.memory_space<vmem>> -> memref<10304xf32, #tpu.memory_space<vmem>>
      %dma_wait3A_114 = arith.constant 15008 : i32
      %dma_wait3A_115 = tpu.memref_slice %arg2[%dma_wait3A_106, %dma_wait3A_114] : memref<768x50176xf32, #tpu.memory_space<hbm>> -> memref<1x10304xf32, #tpu.memory_space<hbm>>
      %dma_wait3A_116 = tpu.memref_squeeze %dma_wait3A_115 : memref<1x10304xf32, #tpu.memory_space<hbm>> -> memref<10304xf32, #tpu.memory_space<hbm>>
      tpu.wait_dma2 semaphore(%arg9 : memref<!tpu.dma_semaphore, #tpu.memory_space<semaphore_mem>>) src(%dma_wait3A_116 : memref<10304xf32, #tpu.memory_space<hbm>>) dst(%dma_wait3A_113 : memref<10304xf32, #tpu.memory_space<vmem>>)
      %parallel_loop3A = arith.constant 0 : i32
      %parallel_loop3A_117 = arith.constant 392 : i32
      %parallel_loop3A_118 = arith.constant 1 : i32
      scf.for %parallel_loop3A_306 = %parallel_loop3A to %parallel_loop3A_117 step %parallel_loop3A_118  : i32 {
        %parallel_loop3A_307 = arith.constant 16 : i32
        %parallel_loop3A_308 = arith.muli %parallel_loop3A_306, %parallel_loop3A_307 : i32
        %parallel_loop3A_309 = arith.constant 0 : i32
        %parallel_loop3A_310 = arith.addi %parallel_loop3A_309, %parallel_loop3A_308 : i32
        %parallel_loop3A_311 = arith.index_cast %parallel_loop3A_310 : i32 to index
        %parallel_loop3A_312 = tpu.vector_load %arg6[%parallel_loop3A_311] {strides = array<i32>} : memref<50176xi32, #tpu.memory_space<vmem>>, vector<16xi32>,
        %parallel_loop3A_313 = tpu.vector_load_idx %arg5[%parallel_loop3A_312] : memref<50176xf32, #tpu.memory_space<vmem>>[vector<16xi32>], vector<16xf32>,
        %parallel_loop3A_314 = arith.constant 16 : i32
        %parallel_loop3A_315 = arith.muli %parallel_loop3A_306, %parallel_loop3A_314 : i32
        %parallel_loop3A_316 = arith.index_cast %parallel_loop3A_315 : i32 to index
        %parallel_loop3A_317 = tpu.vector_load %arg7[%parallel_loop3A_316] {strides = array<i32>} : memref<6272xf32, #tpu.memory_space<vmem>>, vector<16xf32>,
        tpu.vector_store %arg7[%parallel_loop3A_316], %parallel_loop3A_313 {strides = array<i32>} : memref<6272xf32, #tpu.memory_space<vmem>>, vector<16xf32>,
      } {sc.loop_unroll_factor = 8 : i64, sc.parallel_access}
      %dma_start3A_119 = arith.constant 0 : i32
      %dma_start3A_120 = tpu.memref_slice %arg4[%add3A_91, %dma_start3A_119] : memref<768x50176xf32, #tpu.memory_space<hbm>> -> memref<1x6272xf32, #tpu.memory_space<hbm>>
      %dma_start3A_121 = tpu.memref_squeeze %dma_start3A_120 : memref<1x6272xf32, #tpu.memory_space<hbm>> -> memref<6272xf32, #tpu.memory_space<hbm>>
      %dma_start3A_122 = arith.constant 0 : i32
      %dma_start3A_123 = tpu.memref_slice %arg4[%add3A_91, %dma_start3A_122] : memref<768x50176xf32, #tpu.memory_space<hbm>> -> memref<1x6272xf32, #tpu.memory_space<hbm>>
      %dma_start3A_124 = tpu.memref_squeeze %dma_start3A_123 : memref<1x6272xf32, #tpu.memory_space<hbm>> -> memref<6272xf32, #tpu.memory_space<hbm>>
      tpu.enqueue_dma source(%arg7 : memref<6272xf32, #tpu.memory_space<vmem>>) target(%dma_start3A_124 : memref<6272xf32, #tpu.memory_space<hbm>>) target_semaphore(%arg10 : memref<!tpu.dma_semaphore, #tpu.memory_space<semaphore_mem>>)
      %dma_wait3A_125 = arith.constant 0 : i32
      %dma_wait3A_126 = arith.constant 25312 : i32
      %dma_wait3A_127 = tpu.memref_slice %arg5[%dma_wait3A_126] : memref<50176xf32, #tpu.memory_space<vmem>> -> memref<12320xf32, #tpu.memory_space<vmem>>
      %dma_wait3A_128 = arith.constant 25312 : i32
      %dma_wait3A_129 = tpu.memref_slice %arg2[%dma_wait3A_125, %dma_wait3A_128] : memref<768x50176xf32, #tpu.memory_space<hbm>> -> memref<1x12320xf32, #tpu.memory_space<hbm>>
      %dma_wait3A_130 = tpu.memref_squeeze %dma_wait3A_129 : memref<1x12320xf32, #tpu.memory_space<hbm>> -> memref<12320xf32, #tpu.memory_space<hbm>>
      %dma_wait3A_131 = arith.constant 25312 : i32
      %dma_wait3A_132 = tpu.memref_slice %arg5[%dma_wait3A_131] : memref<50176xf32, #tpu.memory_space<vmem>> -> memref<12320xf32, #tpu.memory_space<vmem>>
      %dma_wait3A_133 = arith.constant 25312 : i32
      %dma_wait3A_134 = tpu.memref_slice %arg2[%dma_wait3A_125, %dma_wait3A_133] : memref<768x50176xf32, #tpu.memory_space<hbm>> -> memref<1x12320xf32, #tpu.memory_space<hbm>>
      %dma_wait3A_135 = tpu.memref_squeeze %dma_wait3A_134 : memref<1x12320xf32, #tpu.memory_space<hbm>> -> memref<12320xf32, #tpu.memory_space<hbm>>
      tpu.wait_dma2 semaphore(%arg9 : memref<!tpu.dma_semaphore, #tpu.memory_space<semaphore_mem>>) src(%dma_wait3A_135 : memref<12320xf32, #tpu.memory_space<hbm>>) dst(%dma_wait3A_132 : memref<12320xf32, #tpu.memory_space<vmem>>)
      %parallel_loop3A_136 = arith.constant 0 : i32
      %parallel_loop3A_137 = arith.constant 392 : i32
      %parallel_loop3A_138 = arith.constant 1 : i32
      scf.for %parallel_loop3A_306 = %parallel_loop3A_136 to %parallel_loop3A_137 step %parallel_loop3A_138  : i32 {
        %parallel_loop3A_307 = arith.constant 16 : i32
        %parallel_loop3A_308 = arith.muli %parallel_loop3A_306, %parallel_loop3A_307 : i32
        %parallel_loop3A_309 = arith.constant 6272 : i32
        %parallel_loop3A_310 = arith.addi %parallel_loop3A_309, %parallel_loop3A_308 : i32
        %parallel_loop3A_311 = arith.index_cast %parallel_loop3A_310 : i32 to index
        %parallel_loop3A_312 = tpu.vector_load %arg6[%parallel_loop3A_311] {strides = array<i32>} : memref<50176xi32, #tpu.memory_space<vmem>>, vector<16xi32>,
        %parallel_loop3A_313 = tpu.vector_load_idx %arg5[%parallel_loop3A_312] : memref<50176xf32, #tpu.memory_space<vmem>>[vector<16xi32>], vector<16xf32>,
        %parallel_loop3A_314 = arith.constant 16 : i32
        %parallel_loop3A_315 = arith.muli %parallel_loop3A_306, %parallel_loop3A_314 : i32
        %parallel_loop3A_316 = arith.index_cast %parallel_loop3A_315 : i32 to index
        %parallel_loop3A_317 = tpu.vector_load %arg8[%parallel_loop3A_316] {strides = array<i32>} : memref<6272xf32, #tpu.memory_space<vmem>>, vector<16xf32>,
        tpu.vector_store %arg8[%parallel_loop3A_316], %parallel_loop3A_313 {strides = array<i32>} : memref<6272xf32, #tpu.memory_space<vmem>>, vector<16xf32>,
      } {sc.loop_unroll_factor = 8 : i64, sc.parallel_access}
      %dma_start3A_139 = arith.constant 6272 : i32
      %dma_start3A_140 = tpu.memref_slice %arg4[%add3A_91, %dma_start3A_139] : memref<768x50176xf32, #tpu.memory_space<hbm>> -> memref<1x6272xf32, #tpu.memory_space<hbm>>
      %dma_start3A_141 = tpu.memref_squeeze %dma_start3A_140 : memref<1x6272xf32, #tpu.memory_space<hbm>> -> memref<6272xf32, #tpu.memory_space<hbm>>
      %dma_start3A_142 = arith.constant 6272 : i32
      %dma_start3A_143 = tpu.memref_slice %arg4[%add3A_91, %dma_start3A_142] : memref<768x50176xf32, #tpu.memory_space<hbm>> -> memref<1x6272xf32, #tpu.memory_space<hbm>>
      %dma_start3A_144 = tpu.memref_squeeze %dma_start3A_143 : memref<1x6272xf32, #tpu.memory_space<hbm>> -> memref<6272xf32, #tpu.memory_space<hbm>>
      tpu.enqueue_dma source(%arg8 : memref<6272xf32, #tpu.memory_space<vmem>>) target(%dma_start3A_144 : memref<6272xf32, #tpu.memory_space<hbm>>) target_semaphore(%arg10 : memref<!tpu.dma_semaphore, #tpu.memory_space<semaphore_mem>>)
      %dma_wait3A_145 = arith.constant 0 : i32
      %dma_wait3A_146 = arith.constant 37632 : i32
      %dma_wait3A_147 = tpu.memref_slice %arg5[%dma_wait3A_146] : memref<50176xf32, #tpu.memory_space<vmem>> -> memref<12544xf32, #tpu.memory_space<vmem>>
      %dma_wait3A_148 = arith.constant 37632 : i32
      %dma_wait3A_149 = tpu.memref_slice %arg2[%dma_wait3A_145, %dma_wait3A_148] : memref<768x50176xf32, #tpu.memory_space<hbm>> -> memref<1x12544xf32, #tpu.memory_space<hbm>>
      %dma_wait3A_150 = tpu.memref_squeeze %dma_wait3A_149 : memref<1x12544xf32, #tpu.memory_space<hbm>> -> memref<12544xf32, #tpu.memory_space<hbm>>
      %dma_wait3A_151 = arith.constant 37632 : i32
      %dma_wait3A_152 = tpu.memref_slice %arg5[%dma_wait3A_151] : memref<50176xf32, #tpu.memory_space<vmem>> -> memref<12544xf32, #tpu.memory_space<vmem>>
      %dma_wait3A_153 = arith.constant 37632 : i32
      %dma_wait3A_154 = tpu.memref_slice %arg2[%dma_wait3A_145, %dma_wait3A_153] : memref<768x50176xf32, #tpu.memory_space<hbm>> -> memref<1x12544xf32, #tpu.memory_space<hbm>>
      %dma_wait3A_155 = tpu.memref_squeeze %dma_wait3A_154 : memref<1x12544xf32, #tpu.memory_space<hbm>> -> memref<12544xf32, #tpu.memory_space<hbm>>
      tpu.wait_dma2 semaphore(%arg9 : memref<!tpu.dma_semaphore, #tpu.memory_space<semaphore_mem>>) src(%dma_wait3A_155 : memref<12544xf32, #tpu.memory_space<hbm>>) dst(%dma_wait3A_152 : memref<12544xf32, #tpu.memory_space<vmem>>)
      %dma_wait3A_156 = arith.constant 0 : i32
      %dma_wait3A_157 = arith.constant 0 : i32
      %dma_wait3A_158 = tpu.memref_slice %arg4[%dma_wait3A_156, %dma_wait3A_157] : memref<768x50176xf32, #tpu.memory_space<hbm>> -> memref<1x6272xf32, #tpu.memory_space<hbm>>
      %dma_wait3A_159 = tpu.memref_squeeze %dma_wait3A_158 : memref<1x6272xf32, #tpu.memory_space<hbm>> -> memref<6272xf32, #tpu.memory_space<hbm>>
      %dma_wait3A_160 = arith.constant 0 : i32
      %dma_wait3A_161 = tpu.memref_slice %arg4[%dma_wait3A_156, %dma_wait3A_160] : memref<768x50176xf32, #tpu.memory_space<hbm>> -> memref<1x6272xf32, #tpu.memory_space<hbm>>
      %dma_wait3A_162 = tpu.memref_squeeze %dma_wait3A_161 : memref<1x6272xf32, #tpu.memory_space<hbm>> -> memref<6272xf32, #tpu.memory_space<hbm>>
      tpu.wait_dma2 semaphore(%arg10 : memref<!tpu.dma_semaphore, #tpu.memory_space<semaphore_mem>>) src(%dma_wait3A_162 : memref<6272xf32, #tpu.memory_space<hbm>>) dst(%arg7 : memref<6272xf32, #tpu.memory_space<vmem>>)
      %parallel_loop3A_163 = arith.constant 0 : i32
      %parallel_loop3A_164 = arith.constant 392 : i32
      %parallel_loop3A_165 = arith.constant 1 : i32
      scf.for %parallel_loop3A_306 = %parallel_loop3A_163 to %parallel_loop3A_164 step %parallel_loop3A_165  : i32 {
        %parallel_loop3A_307 = arith.constant 16 : i32
        %parallel_loop3A_308 = arith.muli %parallel_loop3A_306, %parallel_loop3A_307 : i32
        %parallel_loop3A_309 = arith.constant 12544 : i32
        %parallel_loop3A_310 = arith.addi %parallel_loop3A_309, %parallel_loop3A_308 : i32
        %parallel_loop3A_311 = arith.index_cast %parallel_loop3A_310 : i32 to index
        %parallel_loop3A_312 = tpu.vector_load %arg6[%parallel_loop3A_311] {strides = array<i32>} : memref<50176xi32, #tpu.memory_space<vmem>>, vector<16xi32>,
        %parallel_loop3A_313 = tpu.vector_load_idx %arg5[%parallel_loop3A_312] : memref<50176xf32, #tpu.memory_space<vmem>>[vector<16xi32>], vector<16xf32>,
        %parallel_loop3A_314 = arith.constant 16 : i32
        %parallel_loop3A_315 = arith.muli %parallel_loop3A_306, %parallel_loop3A_314 : i32
        %parallel_loop3A_316 = arith.index_cast %parallel_loop3A_315 : i32 to index
        %parallel_loop3A_317 = tpu.vector_load %arg7[%parallel_loop3A_316] {strides = array<i32>} : memref<6272xf32, #tpu.memory_space<vmem>>, vector<16xf32>,
        tpu.vector_store %arg7[%parallel_loop3A_316], %parallel_loop3A_313 {strides = array<i32>} : memref<6272xf32, #tpu.memory_space<vmem>>, vector<16xf32>,
      } {sc.loop_unroll_factor = 8 : i64, sc.parallel_access}
      %dma_start3A_166 = arith.constant 12544 : i32
      %dma_start3A_167 = tpu.memref_slice %arg4[%add3A_91, %dma_start3A_166] : memref<768x50176xf32, #tpu.memory_space<hbm>> -> memref<1x6272xf32, #tpu.memory_space<hbm>>
      %dma_start3A_168 = tpu.memref_squeeze %dma_start3A_167 : memref<1x6272xf32, #tpu.memory_space<hbm>> -> memref<6272xf32, #tpu.memory_space<hbm>>
      %dma_start3A_169 = arith.constant 12544 : i32
      %dma_start3A_170 = tpu.memref_slice %arg4[%add3A_91, %dma_start3A_169] : memref<768x50176xf32, #tpu.memory_space<hbm>> -> memref<1x6272xf32, #tpu.memory_space<hbm>>
      %dma_start3A_171 = tpu.memref_squeeze %dma_start3A_170 : memref<1x6272xf32, #tpu.memory_space<hbm>> -> memref<6272xf32, #tpu.memory_space<hbm>>
      tpu.enqueue_dma source(%arg7 : memref<6272xf32, #tpu.memory_space<vmem>>) target(%dma_start3A_171 : memref<6272xf32, #tpu.memory_space<hbm>>) target_semaphore(%arg10 : memref<!tpu.dma_semaphore, #tpu.memory_space<semaphore_mem>>)
      %dma_wait3A_172 = arith.constant 0 : i32
      %dma_wait3A_173 = arith.constant 6272 : i32
      %dma_wait3A_174 = tpu.memref_slice %arg4[%dma_wait3A_172, %dma_wait3A_173] : memref<768x50176xf32, #tpu.memory_space<hbm>> -> memref<1x6272xf32, #tpu.memory_space<hbm>>
      %dma_wait3A_175 = tpu.memref_squeeze %dma_wait3A_174 : memref<1x6272xf32, #tpu.memory_space<hbm>> -> memref<6272xf32, #tpu.memory_space<hbm>>
      %dma_wait3A_176 = arith.constant 6272 : i32
      %dma_wait3A_177 = tpu.memref_slice %arg4[%dma_wait3A_172, %dma_wait3A_176] : memref<768x50176xf32, #tpu.memory_space<hbm>> -> memref<1x6272xf32, #tpu.memory_space<hbm>>
      %dma_wait3A_178 = tpu.memref_squeeze %dma_wait3A_177 : memref<1x6272xf32, #tpu.memory_space<hbm>> -> memref<6272xf32, #tpu.memory_space<hbm>>
      tpu.wait_dma2 semaphore(%arg10 : memref<!tpu.dma_semaphore, #tpu.memory_space<semaphore_mem>>) src(%dma_wait3A_178 : memref<6272xf32, #tpu.memory_space<hbm>>) dst(%arg8 : memref<6272xf32, #tpu.memory_space<vmem>>)
      %parallel_loop3A_179 = arith.constant 0 : i32
      %parallel_loop3A_180 = arith.constant 392 : i32
      %parallel_loop3A_181 = arith.constant 1 : i32
      scf.for %parallel_loop3A_306 = %parallel_loop3A_179 to %parallel_loop3A_180 step %parallel_loop3A_181  : i32 {
        %parallel_loop3A_307 = arith.constant 16 : i32
        %parallel_loop3A_308 = arith.muli %parallel_loop3A_306, %parallel_loop3A_307 : i32
        %parallel_loop3A_309 = arith.constant 18816 : i32
        %parallel_loop3A_310 = arith.addi %parallel_loop3A_309, %parallel_loop3A_308 : i32
        %parallel_loop3A_311 = arith.index_cast %parallel_loop3A_310 : i32 to index
        %parallel_loop3A_312 = tpu.vector_load %arg6[%parallel_loop3A_311] {strides = array<i32>} : memref<50176xi32, #tpu.memory_space<vmem>>, vector<16xi32>,
        %parallel_loop3A_313 = tpu.vector_load_idx %arg5[%parallel_loop3A_312] : memref<50176xf32, #tpu.memory_space<vmem>>[vector<16xi32>], vector<16xf32>,
        %parallel_loop3A_314 = arith.constant 16 : i32
        %parallel_loop3A_315 = arith.muli %parallel_loop3A_306, %parallel_loop3A_314 : i32
        %parallel_loop3A_316 = arith.index_cast %parallel_loop3A_315 : i32 to index
        %parallel_loop3A_317 = tpu.vector_load %arg8[%parallel_loop3A_316] {strides = array<i32>} : memref<6272xf32, #tpu.memory_space<vmem>>, vector<16xf32>,
        tpu.vector_store %arg8[%parallel_loop3A_316], %parallel_loop3A_313 {strides = array<i32>} : memref<6272xf32, #tpu.memory_space<vmem>>, vector<16xf32>,
      } {sc.loop_unroll_factor = 8 : i64, sc.parallel_access}
      %dma_start3A_182 = arith.constant 18816 : i32
      %dma_start3A_183 = tpu.memref_slice %arg4[%add3A_91, %dma_start3A_182] : memref<768x50176xf32, #tpu.memory_space<hbm>> -> memref<1x6272xf32, #tpu.memory_space<hbm>>
      %dma_start3A_184 = tpu.memref_squeeze %dma_start3A_183 : memref<1x6272xf32, #tpu.memory_space<hbm>> -> memref<6272xf32, #tpu.memory_space<hbm>>
      %dma_start3A_185 = arith.constant 18816 : i32
      %dma_start3A_186 = tpu.memref_slice %arg4[%add3A_91, %dma_start3A_185] : memref<768x50176xf32, #tpu.memory_space<hbm>> -> memref<1x6272xf32, #tpu.memory_space<hbm>>
      %dma_start3A_187 = tpu.memref_squeeze %dma_start3A_186 : memref<1x6272xf32, #tpu.memory_space<hbm>> -> memref<6272xf32, #tpu.memory_space<hbm>>
      tpu.enqueue_dma source(%arg8 : memref<6272xf32, #tpu.memory_space<vmem>>) target(%dma_start3A_187 : memref<6272xf32, #tpu.memory_space<hbm>>) target_semaphore(%arg10 : memref<!tpu.dma_semaphore, #tpu.memory_space<semaphore_mem>>)
      %dma_wait3A_188 = arith.constant 0 : i32
      %dma_wait3A_189 = arith.constant 12544 : i32
      %dma_wait3A_190 = tpu.memref_slice %arg4[%dma_wait3A_188, %dma_wait3A_189] : memref<768x50176xf32, #tpu.memory_space<hbm>> -> memref<1x6272xf32, #tpu.memory_space<hbm>>
      %dma_wait3A_191 = tpu.memref_squeeze %dma_wait3A_190 : memref<1x6272xf32, #tpu.memory_space<hbm>> -> memref<6272xf32, #tpu.memory_space<hbm>>
      %dma_wait3A_192 = arith.constant 12544 : i32
      %dma_wait3A_193 = tpu.memref_slice %arg4[%dma_wait3A_188, %dma_wait3A_192] : memref<768x50176xf32, #tpu.memory_space<hbm>> -> memref<1x6272xf32, #tpu.memory_space<hbm>>
      %dma_wait3A_194 = tpu.memref_squeeze %dma_wait3A_193 : memref<1x6272xf32, #tpu.memory_space<hbm>> -> memref<6272xf32, #tpu.memory_space<hbm>>
      tpu.wait_dma2 semaphore(%arg10 : memref<!tpu.dma_semaphore, #tpu.memory_space<semaphore_mem>>) src(%dma_wait3A_194 : memref<6272xf32, #tpu.memory_space<hbm>>) dst(%arg7 : memref<6272xf32, #tpu.memory_space<vmem>>)
      %parallel_loop3A_195 = arith.constant 0 : i32
      %parallel_loop3A_196 = arith.constant 392 : i32
      %parallel_loop3A_197 = arith.constant 1 : i32
      scf.for %parallel_loop3A_306 = %parallel_loop3A_195 to %parallel_loop3A_196 step %parallel_loop3A_197  : i32 {
        %parallel_loop3A_307 = arith.constant 16 : i32
        %parallel_loop3A_308 = arith.muli %parallel_loop3A_306, %parallel_loop3A_307 : i32
        %parallel_loop3A_309 = arith.constant 25088 : i32
        %parallel_loop3A_310 = arith.addi %parallel_loop3A_309, %parallel_loop3A_308 : i32
        %parallel_loop3A_311 = arith.index_cast %parallel_loop3A_310 : i32 to index
        %parallel_loop3A_312 = tpu.vector_load %arg6[%parallel_loop3A_311] {strides = array<i32>} : memref<50176xi32, #tpu.memory_space<vmem>>, vector<16xi32>,
        %parallel_loop3A_313 = tpu.vector_load_idx %arg5[%parallel_loop3A_312] : memref<50176xf32, #tpu.memory_space<vmem>>[vector<16xi32>], vector<16xf32>,
        %parallel_loop3A_314 = arith.constant 16 : i32
        %parallel_loop3A_315 = arith.muli %parallel_loop3A_306, %parallel_loop3A_314 : i32
        %parallel_loop3A_316 = arith.index_cast %parallel_loop3A_315 : i32 to index
        %parallel_loop3A_317 = tpu.vector_load %arg7[%parallel_loop3A_316] {strides = array<i32>} : memref<6272xf32, #tpu.memory_space<vmem>>, vector<16xf32>,
        tpu.vector_store %arg7[%parallel_loop3A_316], %parallel_loop3A_313 {strides = array<i32>} : memref<6272xf32, #tpu.memory_space<vmem>>, vector<16xf32>,
      } {sc.loop_unroll_factor = 8 : i64, sc.parallel_access}
      %dma_start3A_198 = arith.constant 25088 : i32
      %dma_start3A_199 = tpu.memref_slice %arg4[%add3A_91, %dma_start3A_198] : memref<768x50176xf32, #tpu.memory_space<hbm>> -> memref<1x6272xf32, #tpu.memory_space<hbm>>
      %dma_start3A_200 = tpu.memref_squeeze %dma_start3A_199 : memref<1x6272xf32, #tpu.memory_space<hbm>> -> memref<6272xf32, #tpu.memory_space<hbm>>
      %dma_start3A_201 = arith.constant 25088 : i32
      %dma_start3A_202 = tpu.memref_slice %arg4[%add3A_91, %dma_start3A_201] : memref<768x50176xf32, #tpu.memory_space<hbm>> -> memref<1x6272xf32, #tpu.memory_space<hbm>>
      %dma_start3A_203 = tpu.memref_squeeze %dma_start3A_202 : memref<1x6272xf32, #tpu.memory_space<hbm>> -> memref<6272xf32, #tpu.memory_space<hbm>>
      tpu.enqueue_dma source(%arg7 : memref<6272xf32, #tpu.memory_space<vmem>>) target(%dma_start3A_203 : memref<6272xf32, #tpu.memory_space<hbm>>) target_semaphore(%arg10 : memref<!tpu.dma_semaphore, #tpu.memory_space<semaphore_mem>>)
      %dma_wait3A_204 = arith.constant 0 : i32
      %dma_wait3A_205 = arith.constant 18816 : i32
      %dma_wait3A_206 = tpu.memref_slice %arg4[%dma_wait3A_204, %dma_wait3A_205] : memref<768x50176xf32, #tpu.memory_space<hbm>> -> memref<1x6272xf32, #tpu.memory_space<hbm>>
      %dma_wait3A_207 = tpu.memref_squeeze %dma_wait3A_206 : memref<1x6272xf32, #tpu.memory_space<hbm>> -> memref<6272xf32, #tpu.memory_space<hbm>>
      %dma_wait3A_208 = arith.constant 18816 : i32
      %dma_wait3A_209 = tpu.memref_slice %arg4[%dma_wait3A_204, %dma_wait3A_208] : memref<768x50176xf32, #tpu.memory_space<hbm>> -> memref<1x6272xf32, #tpu.memory_space<hbm>>
      %dma_wait3A_210 = tpu.memref_squeeze %dma_wait3A_209 : memref<1x6272xf32, #tpu.memory_space<hbm>> -> memref<6272xf32, #tpu.memory_space<hbm>>
      tpu.wait_dma2 semaphore(%arg10 : memref<!tpu.dma_semaphore, #tpu.memory_space<semaphore_mem>>) src(%dma_wait3A_210 : memref<6272xf32, #tpu.memory_space<hbm>>) dst(%arg8 : memref<6272xf32, #tpu.memory_space<vmem>>)
      %parallel_loop3A_211 = arith.constant 0 : i32
      %parallel_loop3A_212 = arith.constant 392 : i32
      %parallel_loop3A_213 = arith.constant 1 : i32
      scf.for %parallel_loop3A_306 = %parallel_loop3A_211 to %parallel_loop3A_212 step %parallel_loop3A_213  : i32 {
        %parallel_loop3A_307 = arith.constant 16 : i32
        %parallel_loop3A_308 = arith.muli %parallel_loop3A_306, %parallel_loop3A_307 : i32
        %parallel_loop3A_309 = arith.constant 31360 : i32
        %parallel_loop3A_310 = arith.addi %parallel_loop3A_309, %parallel_loop3A_308 : i32
        %parallel_loop3A_311 = arith.index_cast %parallel_loop3A_310 : i32 to index
        %parallel_loop3A_312 = tpu.vector_load %arg6[%parallel_loop3A_311] {strides = array<i32>} : memref<50176xi32, #tpu.memory_space<vmem>>, vector<16xi32>,
        %parallel_loop3A_313 = tpu.vector_load_idx %arg5[%parallel_loop3A_312] : memref<50176xf32, #tpu.memory_space<vmem>>[vector<16xi32>], vector<16xf32>,
        %parallel_loop3A_314 = arith.constant 16 : i32
        %parallel_loop3A_315 = arith.muli %parallel_loop3A_306, %parallel_loop3A_314 : i32
        %parallel_loop3A_316 = arith.index_cast %parallel_loop3A_315 : i32 to index
        %parallel_loop3A_317 = tpu.vector_load %arg8[%parallel_loop3A_316] {strides = array<i32>} : memref<6272xf32, #tpu.memory_space<vmem>>, vector<16xf32>,
        tpu.vector_store %arg8[%parallel_loop3A_316], %parallel_loop3A_313 {strides = array<i32>} : memref<6272xf32, #tpu.memory_space<vmem>>, vector<16xf32>,
      } {sc.loop_unroll_factor = 8 : i64, sc.parallel_access}
      %dma_start3A_214 = arith.constant 31360 : i32
      %dma_start3A_215 = tpu.memref_slice %arg4[%add3A_91, %dma_start3A_214] : memref<768x50176xf32, #tpu.memory_space<hbm>> -> memref<1x6272xf32, #tpu.memory_space<hbm>>
      %dma_start3A_216 = tpu.memref_squeeze %dma_start3A_215 : memref<1x6272xf32, #tpu.memory_space<hbm>> -> memref<6272xf32, #tpu.memory_space<hbm>>
      %dma_start3A_217 = arith.constant 31360 : i32
      %dma_start3A_218 = tpu.memref_slice %arg4[%add3A_91, %dma_start3A_217] : memref<768x50176xf32, #tpu.memory_space<hbm>> -> memref<1x6272xf32, #tpu.memory_space<hbm>>
      %dma_start3A_219 = tpu.memref_squeeze %dma_start3A_218 : memref<1x6272xf32, #tpu.memory_space<hbm>> -> memref<6272xf32, #tpu.memory_space<hbm>>
      tpu.enqueue_dma source(%arg8 : memref<6272xf32, #tpu.memory_space<vmem>>) target(%dma_start3A_219 : memref<6272xf32, #tpu.memory_space<hbm>>) target_semaphore(%arg10 : memref<!tpu.dma_semaphore, #tpu.memory_space<semaphore_mem>>)
      %dma_start3A_220 = arith.constant 0 : i32
      %dma_start3A_221 = tpu.memref_slice %arg5[%dma_start3A_220] : memref<50176xf32, #tpu.memory_space<vmem>> -> memref<15008xf32, #tpu.memory_space<vmem>>
      %dma_start3A_222 = arith.constant 0 : i32
      %dma_start3A_223 = tpu.memref_slice %arg2[%min3A_94, %dma_start3A_222] : memref<768x50176xf32, #tpu.memory_space<hbm>> -> memref<1x15008xf32, #tpu.memory_space<hbm>>
      %dma_start3A_224 = tpu.memref_squeeze %dma_start3A_223 : memref<1x15008xf32, #tpu.memory_space<hbm>> -> memref<15008xf32, #tpu.memory_space<hbm>>
      %dma_start3A_225 = arith.constant 0 : i32
      %dma_start3A_226 = tpu.memref_slice %arg5[%dma_start3A_225] : memref<50176xf32, #tpu.memory_space<vmem>> -> memref<15008xf32, #tpu.memory_space<vmem>>
      %dma_start3A_227 = arith.constant 0 : i32
      %dma_start3A_228 = tpu.memref_slice %arg2[%min3A_94, %dma_start3A_227] : memref<768x50176xf32, #tpu.memory_space<hbm>> -> memref<1x15008xf32, #tpu.memory_space<hbm>>
      %dma_start3A_229 = tpu.memref_squeeze %dma_start3A_228 : memref<1x15008xf32, #tpu.memory_space<hbm>> -> memref<15008xf32, #tpu.memory_space<hbm>>
      tpu.enqueue_dma source(%dma_start3A_229 : memref<15008xf32, #tpu.memory_space<hbm>>) target(%dma_start3A_226 : memref<15008xf32, #tpu.memory_space<vmem>>) target_semaphore(%arg9 : memref<!tpu.dma_semaphore, #tpu.memory_space<semaphore_mem>>)
      %dma_wait3A_230 = arith.constant 0 : i32
      %dma_wait3A_231 = arith.constant 25088 : i32
      %dma_wait3A_232 = tpu.memref_slice %arg4[%dma_wait3A_230, %dma_wait3A_231] : memref<768x50176xf32, #tpu.memory_space<hbm>> -> memref<1x6272xf32, #tpu.memory_space<hbm>>
      %dma_wait3A_233 = tpu.memref_squeeze %dma_wait3A_232 : memref<1x6272xf32, #tpu.memory_space<hbm>> -> memref<6272xf32, #tpu.memory_space<hbm>>
      %dma_wait3A_234 = arith.constant 25088 : i32
      %dma_wait3A_235 = tpu.memref_slice %arg4[%dma_wait3A_230, %dma_wait3A_234] : memref<768x50176xf32, #tpu.memory_space<hbm>> -> memref<1x6272xf32, #tpu.memory_space<hbm>>
      %dma_wait3A_236 = tpu.memref_squeeze %dma_wait3A_235 : memref<1x6272xf32, #tpu.memory_space<hbm>> -> memref<6272xf32, #tpu.memory_space<hbm>>
      tpu.wait_dma2 semaphore(%arg10 : memref<!tpu.dma_semaphore, #tpu.memory_space<semaphore_mem>>) src(%dma_wait3A_236 : memref<6272xf32, #tpu.memory_space<hbm>>) dst(%arg7 : memref<6272xf32, #tpu.memory_space<vmem>>)
      %parallel_loop3A_237 = arith.constant 0 : i32
      %parallel_loop3A_238 = arith.constant 392 : i32
      %parallel_loop3A_239 = arith.constant 1 : i32
      scf.for %parallel_loop3A_306 = %parallel_loop3A_237 to %parallel_loop3A_238 step %parallel_loop3A_239  : i32 {
        %parallel_loop3A_307 = arith.constant 16 : i32
        %parallel_loop3A_308 = arith.muli %parallel_loop3A_306, %parallel_loop3A_307 : i32
        %parallel_loop3A_309 = arith.constant 37632 : i32
        %parallel_loop3A_310 = arith.addi %parallel_loop3A_309, %parallel_loop3A_308 : i32
        %parallel_loop3A_311 = arith.index_cast %parallel_loop3A_310 : i32 to index
        %parallel_loop3A_312 = tpu.vector_load %arg6[%parallel_loop3A_311] {strides = array<i32>} : memref<50176xi32, #tpu.memory_space<vmem>>, vector<16xi32>,
        %parallel_loop3A_313 = tpu.vector_load_idx %arg5[%parallel_loop3A_312] : memref<50176xf32, #tpu.memory_space<vmem>>[vector<16xi32>], vector<16xf32>,
        %parallel_loop3A_314 = arith.constant 16 : i32
        %parallel_loop3A_315 = arith.muli %parallel_loop3A_306, %parallel_loop3A_314 : i32
        %parallel_loop3A_316 = arith.index_cast %parallel_loop3A_315 : i32 to index
        %parallel_loop3A_317 = tpu.vector_load %arg7[%parallel_loop3A_316] {strides = array<i32>} : memref<6272xf32, #tpu.memory_space<vmem>>, vector<16xf32>,
        tpu.vector_store %arg7[%parallel_loop3A_316], %parallel_loop3A_313 {strides = array<i32>} : memref<6272xf32, #tpu.memory_space<vmem>>, vector<16xf32>,
      } {sc.loop_unroll_factor = 8 : i64, sc.parallel_access}
      %dma_start3A_240 = arith.constant 37632 : i32
      %dma_start3A_241 = tpu.memref_slice %arg4[%add3A_91, %dma_start3A_240] : memref<768x50176xf32, #tpu.memory_space<hbm>> -> memref<1x6272xf32, #tpu.memory_space<hbm>>
      %dma_start3A_242 = tpu.memref_squeeze %dma_start3A_241 : memref<1x6272xf32, #tpu.memory_space<hbm>> -> memref<6272xf32, #tpu.memory_space<hbm>>
      %dma_start3A_243 = arith.constant 37632 : i32
      %dma_start3A_244 = tpu.memref_slice %arg4[%add3A_91, %dma_start3A_243] : memref<768x50176xf32, #tpu.memory_space<hbm>> -> memref<1x6272xf32, #tpu.memory_space<hbm>>
      %dma_start3A_245 = tpu.memref_squeeze %dma_start3A_244 : memref<1x6272xf32, #tpu.memory_space<hbm>> -> memref<6272xf32, #tpu.memory_space<hbm>>
      tpu.enqueue_dma source(%arg7 : memref<6272xf32, #tpu.memory_space<vmem>>) target(%dma_start3A_245 : memref<6272xf32, #tpu.memory_space<hbm>>) target_semaphore(%arg10 : memref<!tpu.dma_semaphore, #tpu.memory_space<semaphore_mem>>)
      %dma_start3A_246 = arith.constant 15008 : i32
      %dma_start3A_247 = tpu.memref_slice %arg5[%dma_start3A_246] : memref<50176xf32, #tpu.memory_space<vmem>> -> memref<10304xf32, #tpu.memory_space<vmem>>
      %dma_start3A_248 = arith.constant 15008 : i32
      %dma_start3A_249 = tpu.memref_slice %arg2[%min3A_94, %dma_start3A_248] : memref<768x50176xf32, #tpu.memory_space<hbm>> -> memref<1x10304xf32, #tpu.memory_space<hbm>>
      %dma_start3A_250 = tpu.memref_squeeze %dma_start3A_249 : memref<1x10304xf32, #tpu.memory_space<hbm>> -> memref<10304xf32, #tpu.memory_space<hbm>>
      %dma_start3A_251 = arith.constant 15008 : i32
      %dma_start3A_252 = tpu.memref_slice %arg5[%dma_start3A_251] : memref<50176xf32, #tpu.memory_space<vmem>> -> memref<10304xf32, #tpu.memory_space<vmem>>
      %dma_start3A_253 = arith.constant 15008 : i32
      %dma_start3A_254 = tpu.memref_slice %arg2[%min3A_94, %dma_start3A_253] : memref<768x50176xf32, #tpu.memory_space<hbm>> -> memref<1x10304xf32, #tpu.memory_space<hbm>>
      %dma_start3A_255 = tpu.memref_squeeze %dma_start3A_254 : memref<1x10304xf32, #tpu.memory_space<hbm>> -> memref<10304xf32, #tpu.memory_space<hbm>>
      tpu.enqueue_dma source(%dma_start3A_255 : memref<10304xf32, #tpu.memory_space<hbm>>) target(%dma_start3A_252 : memref<10304xf32, #tpu.memory_space<vmem>>) target_semaphore(%arg9 : memref<!tpu.dma_semaphore, #tpu.memory_space<semaphore_mem>>)
      %dma_wait3A_256 = arith.constant 0 : i32
      %dma_wait3A_257 = arith.constant 31360 : i32
      %dma_wait3A_258 = tpu.memref_slice %arg4[%dma_wait3A_256, %dma_wait3A_257] : memref<768x50176xf32, #tpu.memory_space<hbm>> -> memref<1x6272xf32, #tpu.memory_space<hbm>>
      %dma_wait3A_259 = tpu.memref_squeeze %dma_wait3A_258 : memref<1x6272xf32, #tpu.memory_space<hbm>> -> memref<6272xf32, #tpu.memory_space<hbm>>
      %dma_wait3A_260 = arith.constant 31360 : i32
      %dma_wait3A_261 = tpu.memref_slice %arg4[%dma_wait3A_256, %dma_wait3A_260] : memref<768x50176xf32, #tpu.memory_space<hbm>> -> memref<1x6272xf32, #tpu.memory_space<hbm>>
      %dma_wait3A_262 = tpu.memref_squeeze %dma_wait3A_261 : memref<1x6272xf32, #tpu.memory_space<hbm>> -> memref<6272xf32, #tpu.memory_space<hbm>>
      tpu.wait_dma2 semaphore(%arg10 : memref<!tpu.dma_semaphore, #tpu.memory_space<semaphore_mem>>) src(%dma_wait3A_262 : memref<6272xf32, #tpu.memory_space<hbm>>) dst(%arg8 : memref<6272xf32, #tpu.memory_space<vmem>>)
      %parallel_loop3A_263 = arith.constant 0 : i32
      %parallel_loop3A_264 = arith.constant 392 : i32
      %parallel_loop3A_265 = arith.constant 1 : i32
      scf.for %parallel_loop3A_306 = %parallel_loop3A_263 to %parallel_loop3A_264 step %parallel_loop3A_265  : i32 {
        %parallel_loop3A_307 = arith.constant 16 : i32
        %parallel_loop3A_308 = arith.muli %parallel_loop3A_306, %parallel_loop3A_307 : i32
        %parallel_loop3A_309 = arith.constant 43904 : i32
        %parallel_loop3A_310 = arith.addi %parallel_loop3A_309, %parallel_loop3A_308 : i32
        %parallel_loop3A_311 = arith.index_cast %parallel_loop3A_310 : i32 to index
        %parallel_loop3A_312 = tpu.vector_load %arg6[%parallel_loop3A_311] {strides = array<i32>} : memref<50176xi32, #tpu.memory_space<vmem>>, vector<16xi32>,
        %parallel_loop3A_313 = tpu.vector_load_idx %arg5[%parallel_loop3A_312] : memref<50176xf32, #tpu.memory_space<vmem>>[vector<16xi32>], vector<16xf32>,
        %parallel_loop3A_314 = arith.constant 16 : i32
        %parallel_loop3A_315 = arith.muli %parallel_loop3A_306, %parallel_loop3A_314 : i32
        %parallel_loop3A_316 = arith.index_cast %parallel_loop3A_315 : i32 to index
        %parallel_loop3A_317 = tpu.vector_load %arg8[%parallel_loop3A_316] {strides = array<i32>} : memref<6272xf32, #tpu.memory_space<vmem>>, vector<16xf32>,
        tpu.vector_store %arg8[%parallel_loop3A_316], %parallel_loop3A_313 {strides = array<i32>} : memref<6272xf32, #tpu.memory_space<vmem>>, vector<16xf32>,
      } {sc.loop_unroll_factor = 8 : i64, sc.parallel_access}
      %dma_start3A_266 = arith.constant 43904 : i32
      %dma_start3A_267 = tpu.memref_slice %arg4[%add3A_91, %dma_start3A_266] : memref<768x50176xf32, #tpu.memory_space<hbm>> -> memref<1x6272xf32, #tpu.memory_space<hbm>>
      %dma_start3A_268 = tpu.memref_squeeze %dma_start3A_267 : memref<1x6272xf32, #tpu.memory_space<hbm>> -> memref<6272xf32, #tpu.memory_space<hbm>>
      %dma_start3A_269 = arith.constant 43904 : i32
      %dma_start3A_270 = tpu.memref_slice %arg4[%add3A_91, %dma_start3A_269] : memref<768x50176xf32, #tpu.memory_space<hbm>> -> memref<1x6272xf32, #tpu.memory_space<hbm>>
      %dma_start3A_271 = tpu.memref_squeeze %dma_start3A_270 : memref<1x6272xf32, #tpu.memory_space<hbm>> -> memref<6272xf32, #tpu.memory_space<hbm>>
      tpu.enqueue_dma source(%arg8 : memref<6272xf32, #tpu.memory_space<vmem>>) target(%dma_start3A_271 : memref<6272xf32, #tpu.memory_space<hbm>>) target_semaphore(%arg10 : memref<!tpu.dma_semaphore, #tpu.memory_space<semaphore_mem>>)
      %dma_start3A_272 = arith.constant 25312 : i32
      %dma_start3A_273 = tpu.memref_slice %arg5[%dma_start3A_272] : memref<50176xf32, #tpu.memory_space<vmem>> -> memref<12320xf32, #tpu.memory_space<vmem>>
      %dma_start3A_274 = arith.constant 25312 : i32
      %dma_start3A_275 = tpu.memref_slice %arg2[%min3A_94, %dma_start3A_274] : memref<768x50176xf32, #tpu.memory_space<hbm>> -> memref<1x12320xf32, #tpu.memory_space<hbm>>
      %dma_start3A_276 = tpu.memref_squeeze %dma_start3A_275 : memref<1x12320xf32, #tpu.memory_space<hbm>> -> memref<12320xf32, #tpu.memory_space<hbm>>
      %dma_start3A_277 = arith.constant 25312 : i32
      %dma_start3A_278 = tpu.memref_slice %arg5[%dma_start3A_277] : memref<50176xf32, #tpu.memory_space<vmem>> -> memref<12320xf32, #tpu.memory_space<vmem>>
      %dma_start3A_279 = arith.constant 25312 : i32
      %dma_start3A_280 = tpu.memref_slice %arg2[%min3A_94, %dma_start3A_279] : memref<768x50176xf32, #tpu.memory_space<hbm>> -> memref<1x12320xf32, #tpu.memory_space<hbm>>
      %dma_start3A_281 = tpu.memref_squeeze %dma_start3A_280 : memref<1x12320xf32, #tpu.memory_space<hbm>> -> memref<12320xf32, #tpu.memory_space<hbm>>
      tpu.enqueue_dma source(%dma_start3A_281 : memref<12320xf32, #tpu.memory_space<hbm>>) target(%dma_start3A_278 : memref<12320xf32, #tpu.memory_space<vmem>>) target_semaphore(%arg9 : memref<!tpu.dma_semaphore, #tpu.memory_space<semaphore_mem>>)
      %dma_start3A_282 = arith.constant 37632 : i32
      %dma_start3A_283 = tpu.memref_slice %arg5[%dma_start3A_282] : memref<50176xf32, #tpu.memory_space<vmem>> -> memref<12544xf32, #tpu.memory_space<vmem>>
      %dma_start3A_284 = arith.constant 37632 : i32
      %dma_start3A_285 = tpu.memref_slice %arg2[%min3A_94, %dma_start3A_284] : memref<768x50176xf32, #tpu.memory_space<hbm>> -> memref<1x12544xf32, #tpu.memory_space<hbm>>
      %dma_start3A_286 = tpu.memref_squeeze %dma_start3A_285 : memref<1x12544xf32, #tpu.memory_space<hbm>> -> memref<12544xf32, #tpu.memory_space<hbm>>
      %dma_start3A_287 = arith.constant 37632 : i32
      %dma_start3A_288 = tpu.memref_slice %arg5[%dma_start3A_287] : memref<50176xf32, #tpu.memory_space<vmem>> -> memref<12544xf32, #tpu.memory_space<vmem>>
      %dma_start3A_289 = arith.constant 37632 : i32
      %dma_start3A_290 = tpu.memref_slice %arg2[%min3A_94, %dma_start3A_289] : memref<768x50176xf32, #tpu.memory_space<hbm>> -> memref<1x12544xf32, #tpu.memory_space<hbm>>
      %dma_start3A_291 = tpu.memref_squeeze %dma_start3A_290 : memref<1x12544xf32, #tpu.memory_space<hbm>> -> memref<12544xf32, #tpu.memory_space<hbm>>
      tpu.enqueue_dma source(%dma_start3A_291 : memref<12544xf32, #tpu.memory_space<hbm>>) target(%dma_start3A_288 : memref<12544xf32, #tpu.memory_space<vmem>>) target_semaphore(%arg9 : memref<!tpu.dma_semaphore, #tpu.memory_space<semaphore_mem>>)
      %dma_wait3A_292 = arith.constant 0 : i32
      %dma_wait3A_293 = arith.constant 37632 : i32
      %dma_wait3A_294 = tpu.memref_slice %arg4[%dma_wait3A_292, %dma_wait3A_293] : memref<768x50176xf32, #tpu.memory_space<hbm>> -> memref<1x6272xf32, #tpu.memory_space<hbm>>
      %dma_wait3A_295 = tpu.memref_squeeze %dma_wait3A_294 : memref<1x6272xf32, #tpu.memory_space<hbm>> -> memref<6272xf32, #tpu.memory_space<hbm>>
      %dma_wait3A_296 = arith.constant 37632 : i32
      %dma_wait3A_297 = tpu.memref_slice %arg4[%dma_wait3A_292, %dma_wait3A_296] : memref<768x50176xf32, #tpu.memory_space<hbm>> -> memref<1x6272xf32, #tpu.memory_space<hbm>>
      %dma_wait3A_298 = tpu.memref_squeeze %dma_wait3A_297 : memref<1x6272xf32, #tpu.memory_space<hbm>> -> memref<6272xf32, #tpu.memory_space<hbm>>
      tpu.wait_dma2 semaphore(%arg10 : memref<!tpu.dma_semaphore, #tpu.memory_space<semaphore_mem>>) src(%dma_wait3A_298 : memref<6272xf32, #tpu.memory_space<hbm>>) dst(%arg7 : memref<6272xf32, #tpu.memory_space<vmem>>)
      %dma_wait3A_299 = arith.constant 0 : i32
      %dma_wait3A_300 = arith.constant 43904 : i32
      %dma_wait3A_301 = tpu.memref_slice %arg4[%dma_wait3A_299, %dma_wait3A_300] : memref<768x50176xf32, #tpu.memory_space<hbm>> -> memref<1x6272xf32, #tpu.memory_space<hbm>>
      %dma_wait3A_302 = tpu.memref_squeeze %dma_wait3A_301 : memref<1x6272xf32, #tpu.memory_space<hbm>> -> memref<6272xf32, #tpu.memory_space<hbm>>
      %dma_wait3A_303 = arith.constant 43904 : i32
      %dma_wait3A_304 = tpu.memref_slice %arg4[%dma_wait3A_299, %dma_wait3A_303] : memref<768x50176xf32, #tpu.memory_space<hbm>> -> memref<1x6272xf32, #tpu.memory_space<hbm>>
      %dma_wait3A_305 = tpu.memref_squeeze %dma_wait3A_304 : memref<1x6272xf32, #tpu.memory_space<hbm>> -> memref<6272xf32, #tpu.memory_space<hbm>>
      tpu.wait_dma2 semaphore(%arg10 : memref<!tpu.dma_semaphore, #tpu.memory_space<semaphore_mem>>) src(%dma_wait3A_305 : memref<6272xf32, #tpu.memory_space<hbm>>) dst(%arg8 : memref<6272xf32, #tpu.memory_space<vmem>>)
    }
    %scan3A_46 = arith.constant 24 : i32
    %dma_wait3A = arith.constant 0 : i32
    %dma_wait3A_47 = arith.constant 0 : i32
    %dma_wait3A_48 = tpu.memref_slice %arg5[%dma_wait3A_47] : memref<50176xf32, #tpu.memory_space<vmem>> -> memref<15008xf32, #tpu.memory_space<vmem>>
    %dma_wait3A_49 = arith.constant 0 : i32
    %dma_wait3A_50 = tpu.memref_slice %arg2[%dma_wait3A, %dma_wait3A_49] : memref<768x50176xf32, #tpu.memory_space<hbm>> -> memref<1x15008xf32, #tpu.memory_space<hbm>>
    %dma_wait3A_51 = tpu.memref_squeeze %dma_wait3A_50 : memref<1x15008xf32, #tpu.memory_space<hbm>> -> memref<15008xf32, #tpu.memory_space<hbm>>
    %dma_wait3A_52 = arith.constant 0 : i32
    %dma_wait3A_53 = tpu.memref_slice %arg5[%dma_wait3A_52] : memref<50176xf32, #tpu.memory_space<vmem>> -> memref<15008xf32, #tpu.memory_space<vmem>>
    %dma_wait3A_54 = arith.constant 0 : i32
    %dma_wait3A_55 = tpu.memref_slice %arg2[%dma_wait3A, %dma_wait3A_54] : memref<768x50176xf32, #tpu.memory_space<hbm>> -> memref<1x15008xf32, #tpu.memory_space<hbm>>
    %dma_wait3A_56 = tpu.memref_squeeze %dma_wait3A_55 : memref<1x15008xf32, #tpu.memory_space<hbm>> -> memref<15008xf32, #tpu.memory_space<hbm>>
    tpu.wait_dma2 semaphore(%arg9 : memref<!tpu.dma_semaphore, #tpu.memory_space<semaphore_mem>>) src(%dma_wait3A_56 : memref<15008xf32, #tpu.memory_space<hbm>>) dst(%dma_wait3A_53 : memref<15008xf32, #tpu.memory_space<vmem>>)
    %dma_wait3A_57 = arith.constant 0 : i32
    %dma_wait3A_58 = arith.constant 15008 : i32
    %dma_wait3A_59 = tpu.memref_slice %arg5[%dma_wait3A_58] : memref<50176xf32, #tpu.memory_space<vmem>> -> memref<10304xf32, #tpu.memory_space<vmem>>
    %dma_wait3A_60 = arith.constant 15008 : i32
    %dma_wait3A_61 = tpu.memref_slice %arg2[%dma_wait3A_57, %dma_wait3A_60] : memref<768x50176xf32, #tpu.memory_space<hbm>> -> memref<1x10304xf32, #tpu.memory_space<hbm>>
    %dma_wait3A_62 = tpu.memref_squeeze %dma_wait3A_61 : memref<1x10304xf32, #tpu.memory_space<hbm>> -> memref<10304xf32, #tpu.memory_space<hbm>>
    %dma_wait3A_63 = arith.constant 15008 : i32
    %dma_wait3A_64 = tpu.memref_slice %arg5[%dma_wait3A_63] : memref<50176xf32, #tpu.memory_space<vmem>> -> memref<10304xf32, #tpu.memory_space<vmem>>
    %dma_wait3A_65 = arith.constant 15008 : i32
    %dma_wait3A_66 = tpu.memref_slice %arg2[%dma_wait3A_57, %dma_wait3A_65] : memref<768x50176xf32, #tpu.memory_space<hbm>> -> memref<1x10304xf32, #tpu.memory_space<hbm>>
    %dma_wait3A_67 = tpu.memref_squeeze %dma_wait3A_66 : memref<1x10304xf32, #tpu.memory_space<hbm>> -> memref<10304xf32, #tpu.memory_space<hbm>>
    tpu.wait_dma2 semaphore(%arg9 : memref<!tpu.dma_semaphore, #tpu.memory_space<semaphore_mem>>) src(%dma_wait3A_67 : memref<10304xf32, #tpu.memory_space<hbm>>) dst(%dma_wait3A_64 : memref<10304xf32, #tpu.memory_space<vmem>>)
    %dma_wait3A_68 = arith.constant 0 : i32
    %dma_wait3A_69 = arith.constant 25312 : i32
    %dma_wait3A_70 = tpu.memref_slice %arg5[%dma_wait3A_69] : memref<50176xf32, #tpu.memory_space<vmem>> -> memref<12320xf32, #tpu.memory_space<vmem>>
    %dma_wait3A_71 = arith.constant 25312 : i32
    %dma_wait3A_72 = tpu.memref_slice %arg2[%dma_wait3A_68, %dma_wait3A_71] : memref<768x50176xf32, #tpu.memory_space<hbm>> -> memref<1x12320xf32, #tpu.memory_space<hbm>>
    %dma_wait3A_73 = tpu.memref_squeeze %dma_wait3A_72 : memref<1x12320xf32, #tpu.memory_space<hbm>> -> memref<12320xf32, #tpu.memory_space<hbm>>
    %dma_wait3A_74 = arith.constant 25312 : i32
    %dma_wait3A_75 = tpu.memref_slice %arg5[%dma_wait3A_74] : memref<50176xf32, #tpu.memory_space<vmem>> -> memref<12320xf32, #tpu.memory_space<vmem>>
    %dma_wait3A_76 = arith.constant 25312 : i32
    %dma_wait3A_77 = tpu.memref_slice %arg2[%dma_wait3A_68, %dma_wait3A_76] : memref<768x50176xf32, #tpu.memory_space<hbm>> -> memref<1x12320xf32, #tpu.memory_space<hbm>>
    %dma_wait3A_78 = tpu.memref_squeeze %dma_wait3A_77 : memref<1x12320xf32, #tpu.memory_space<hbm>> -> memref<12320xf32, #tpu.memory_space<hbm>>
    tpu.wait_dma2 semaphore(%arg9 : memref<!tpu.dma_semaphore, #tpu.memory_space<semaphore_mem>>) src(%dma_wait3A_78 : memref<12320xf32, #tpu.memory_space<hbm>>) dst(%dma_wait3A_75 : memref<12320xf32, #tpu.memory_space<vmem>>)
    %dma_wait3A_79 = arith.constant 0 : i32
    %dma_wait3A_80 = arith.constant 37632 : i32
    %dma_wait3A_81 = tpu.memref_slice %arg5[%dma_wait3A_80] : memref<50176xf32, #tpu.memory_space<vmem>> -> memref<12544xf32, #tpu.memory_space<vmem>>
    %dma_wait3A_82 = arith.constant 37632 : i32
    %dma_wait3A_83 = tpu.memref_slice %arg2[%dma_wait3A_79, %dma_wait3A_82] : memref<768x50176xf32, #tpu.memory_space<hbm>> -> memref<1x12544xf32, #tpu.memory_space<hbm>>
    %dma_wait3A_84 = tpu.memref_squeeze %dma_wait3A_83 : memref<1x12544xf32, #tpu.memory_space<hbm>> -> memref<12544xf32, #tpu.memory_space<hbm>>
    %dma_wait3A_85 = arith.constant 37632 : i32
    %dma_wait3A_86 = tpu.memref_slice %arg5[%dma_wait3A_85] : memref<50176xf32, #tpu.memory_space<vmem>> -> memref<12544xf32, #tpu.memory_space<vmem>>
    %dma_wait3A_87 = arith.constant 37632 : i32
    %dma_wait3A_88 = tpu.memref_slice %arg2[%dma_wait3A_79, %dma_wait3A_87] : memref<768x50176xf32, #tpu.memory_space<hbm>> -> memref<1x12544xf32, #tpu.memory_space<hbm>>
    %dma_wait3A_89 = tpu.memref_squeeze %dma_wait3A_88 : memref<1x12544xf32, #tpu.memory_space<hbm>> -> memref<12544xf32, #tpu.memory_space<hbm>>
    tpu.wait_dma2 semaphore(%arg9 : memref<!tpu.dma_semaphore, #tpu.memory_space<semaphore_mem>>) src(%dma_wait3A_89 : memref<12544xf32, #tpu.memory_space<hbm>>) dst(%dma_wait3A_86 : memref<12544xf32, #tpu.memory_space<vmem>>)
    return
  }
}

</mosaic_0001>

<sc_bundles>
// kernel: kernel.3.cloned.1.call-start
scs
__scs_entry_jumppad:
0x0: {  	(pc) =	sbr.rel $0x88, $3  }
0x1: {  	(tag) =	ssettag $0x0;
	lr =	simm.s32 $0x1  }
0x2: {  	[smem:$0x3FA0] =	sst lr;
	_ =	strace $0xD0000000  }
0x3: {  	_ = 	snop  }
0x4: {  	_ = 	snop  }
0x5: {  	_ = 	snop  }
0x6: {  	_ = 	snop  }
0x7: {  	_ = 	snop  }
__scs_overlays_trampoline_lowered:
0x8: {  	[smem:$0x3FAF] =	sst s0  }
0x9: {  	[smem:$0x3FB0] =	sst s1  }
0xa: {  	[smem:$0x3FB1] =	sst s2  }
0xb: {  	[smem:$0x3FB2] =	sst s3  }
0xc: {  	[smem:$0x3FB3] =	sst s4  }
0xd: {  	[smem:$0x3FB4] =	sst s5  }
0xe: {  	[smem:$0x3FB5] =	sst s6  }
0xf: {  	[smem:$0x3FB6] =	sst s7  }
0x10: {  	[smem:$0x3FB7] =	sst s8  }
0x11: {  	[smem:$0x3FB8] =	sst s9;
	s0 =	simm.s32 @!p0 $0x0  }
0x12: {  	s1 =	sld [smem:$0x3F9E];
	s0 =	simm.s32 @p0 $0x1  }
0x13: {  	[smem:$0x3FB9] =	sst s0;
	s0 =	simm.s32 @!p1 $0x0  }
0x14: {  	s2 =	sld [smem:$0x3F9D];
	s0 =	simm.s32 @p1 $0x1  }
0x15: {  	[smem:$0x3FBA] =	sst s0;
	s0 =	simm.s32 @!p2 $0x0  }
0x16: {  	s3 =	sld [smem:$0x3FDB];
	s0 =	simm.s32 @p2 $0x1  }
0x17: {  	s4 =	simm.s32 $0x1BF5;
	[smem:$0x3FBC] =	sst s0  }
0x18: {  	s0 =	sld [smem:$0x3F9F];
	_ =	swait.ge [sflag:s4], $0x0  }
0x19: {  	s7 =	sld [smem:$0x3FA0]  }
0x1a: {  	s8 =	sadd.s32 $0xFFFFE003, lr  }
0x1b: {  	s9 =	sadd.s32 $0xFFFFFEF7, lr;
	s5 =	simm.s32 $0xFFFFFFFF;
	p2 =	slt.u32 s8, $0xFFFFF086  }
0x1c: {  	p1 =	slt.u32 s9, $0xF7A;
	s5 =	simm.s32 @!p2 $0x0  }
0x1d: {  	s5 =	simm.s32 @p1 $0x1;
	p0 =	seq.s32 s7, s2  }
0x1e: {  	s7 =	smul.u32 @!p0 $0xF7A, s2;
	p2 =	seq.s32 @!p0 s5, $0x0  }
0x1f: {  	s9 =	smul.u32 $0xF7A, s1;
	s8 =	simm.s32 @!p0 $0x1BF5;
	p2 =	por !p2, p0  }
0x20: {  	[sflag:s8] =	ssyncset.s32 @!p0 $0xFFFFF086;
	s6 =	sadd.s32 @!p0 s3, s7;
	s7 =	simm.s32 @!p0 $0x108  }
0x21: {  	s3 =	sadd.s32 s3, s9;
	s6 =	sadd.s32 @!p0 $0x88, s6;
	s7 =	simm.s32 @p2 $0x1082  }
0x22: {  	[simem:s7], [sflag:s8] =	dma.local @!p0 [hbm:s6], $0xF7A  }
0x23: {  	s9 =	sor.u32 $0xD0000000, s2;
	s6 =	simm.s32 $0x108;
	_ =	swait.ge @!p0 [sflag:s8], $0x0  }
0x24: {  	s3 =	sadd.s32 $0x88, s3;
	s6 =	simm.s32 @!p1 $0x1082;
	[sflag:s4] =	ssyncset.s32 $0xFFFFF086  }
0x25: {  	[simem:s6], [sflag:s4] =	dma.local [hbm:s3], $0xF7A  }
0x26: {  	[smem:$0x3FA0] =	sst s1;
	(tag) =	ssettag s2;
	_ =	strace s9  }
0x27: {  	s1 =	sld [smem:$0x3FB0]  }
0x28: {  	s2 =	sld [smem:$0x3FB1]  }
0x29: {  	s4 =	sld [smem:$0x3FB3]  }
0x2a: {  	p0 =	seq.s32 s5, $0x0;
	s5 =	sld [smem:$0x3FB4]  }
0x2b: {  	s6 =	sld [smem:$0x3FB5]  }
0x2c: {  	s7 =	sld [smem:$0x3FB6]  }
0x2d: {  	s3 =	simm.s32 $0x108;
	s8 =	sld [smem:$0x3FB7]  }
0x2e: {  	s3 =	simm.s32 @!p0 $0x1082;
	s9 =	sld [smem:$0x3FB8]  }
0x2f: {  	lr =	sadd.s32 s0, s3;
	s0 =	sld [smem:$0x3FAF]  }
0x30: {  	s3 =	sld [smem:$0x3FB2]  }
0x31: {  	[smem:$0x3FBB] =	sst s10  }
0x32: {  	s10 =	sld [smem:$0x3FB9];
	_ =	sdelay $0x3  }
0x33: {  	p0 =	seq.s32 s10, $0x1;
	s10 =	sld [smem:$0x3FBB];
	_ =	sdelay $0x3  }
0x34: {  	[smem:$0x3FBB] =	sst s10  }
0x35: {  	s10 =	sld [smem:$0x3FBA];
	_ =	sdelay $0x3  }
0x36: {  	p1 =	seq.s32 s10, $0x1;
	s10 =	sld [smem:$0x3FBB];
	_ =	sdelay $0x3  }
0x37: {  	[smem:$0x3FBB] =	sst s10  }
0x38: {  	s10 =	sld [smem:$0x3FBC]  }
0x39: {  	_ = 	snop;
	(pc) =	sbr.ind lr, $3  }
0x3a: {  	_ = 	snop  }
0x3b: {  	_ = 	snop  }
0x3c: {  	p2 =	seq.s32 s10, $0x1;
	s10 =	sld [smem:$0x3FBB]  }
0x3d: {  	_ =	shalt  }
0x3e: {  	_ =	shalt  }
0x3f: {  	_ =	shalt  }
0x40: {  	_ =	shalt  }
0x41: {  	_ =	shalt  }
0x42: {  	_ =	shalt  }
0x43: {  	_ =	shalt  }
0x44: {  	_ =	shalt  }
0x45: {  	_ =	shalt  }
0x46: {  	_ =	shalt  }
0x47: {  	_ =	shalt  }
0x48: {  	_ =	shalt  }
0x49: {  	_ =	shalt  }
0x4a: {  	_ =	shalt  }
0x4b: {  	_ =	shalt  }
0x4c: {  	_ =	shalt  }
0x4d: {  	_ =	shalt  }
0x4e: {  	_ =	shalt  }
0x4f: {  	_ =	shalt  }
0x50: {  	_ =	shalt  }
0x51: {  	_ =	shalt  }
0x52: {  	_ =	shalt  }
0x53: {  	_ =	shalt  }
0x54: {  	_ =	shalt  }
0x55: {  	_ =	shalt  }
0x56: {  	_ =	shalt  }
0x57: {  	_ =	shalt  }
0x58: {  	_ =	shalt  }
0x59: {  	_ =	shalt  }
0x5a: {  	_ =	shalt  }
0x5b: {  	_ =	shalt  }
0x5c: {  	_ =	shalt  }
0x5d: {  	_ =	shalt  }
0x5e: {  	_ =	shalt  }
0x5f: {  	_ =	shalt  }
0x60: {  	_ =	shalt  }
0x61: {  	_ =	shalt  }
0x62: {  	_ =	shalt  }
0x63: {  	_ =	shalt  }
0x64: {  	_ =	shalt  }
0x65: {  	_ =	shalt  }
0x66: {  	_ =	shalt  }
0x67: {  	_ =	shalt  }
0x68: {  	_ =	shalt  }
0x69: {  	_ =	shalt  }
0x6a: {  	_ =	shalt  }
0x6b: {  	_ =	shalt  }
0x6c: {  	_ =	shalt  }
0x6d: {  	_ =	shalt  }
0x6e: {  	_ =	shalt  }
0x6f: {  	_ =	shalt  }
0x70: {  	_ =	shalt  }
0x71: {  	_ =	shalt  }
0x72: {  	_ =	shalt  }
0x73: {  	_ =	shalt  }
0x74: {  	_ =	shalt  }
0x75: {  	_ =	shalt  }
0x76: {  	_ =	shalt  }
0x77: {  	_ =	shalt  }
0x78: {  	_ =	shalt  }
0x79: {  	_ =	shalt  }
0x7a: {  	_ =	shalt  }
0x7b: {  	_ =	shalt  }
0x7c: {  	_ =	shalt  }
0x7d: {  	_ =	shalt  }
0x7e: {  	_ =	shalt  }
0x7f: {  	_ =	shalt  }
0x80: {  	_ =	shalt  }
0x81: {  	_ =	shalt  }
0x82: {  	_ =	shalt  }
0x83: {  	_ =	shalt  }
0x84: {  	_ =	shalt  }
0x85: {  	_ =	shalt  }
0x86: {  	_ =	shalt  }
0x87: {  	_ =	shalt  }
.Lfunc_end0:
.L_simem_size_0:
called_computation_lowered:
.L_overlay_start_0:
0x88: {  	s2 =	sld [smem:$0x3FD9]  }
0x89: {  	s3 =	sld [smem:$0x3FFE];
	_ =	sdelay $0x1  }
0x8a: {  	s1 =	srdreg.scid  }
0x8b: {  	s0 =	sand.u32 $0x1, s1  }
0x8c: {  	s17 =	sshll.u32 s0, $0xA;
	s2 =	sadd.s32 s3, s2  }
0x8d: {  	s2 =	sadd.s32 s2, s17  }
0x8e: {  	[smem:$0x3FC7] =	sst s2  }
0x8f: {  	_ = 	snop  }
0x90: {  	s2 =	sld [smem:$0x3FD0];
	(tm) =	ssettm $0x1  }
0x91: {  	s18 =	sld [smem:$0x3FFB];
	_ =	sdelay $0x3  }
0x92: {  	_ =	strace s18  }
0x93: {  	s3 =	sld [smem:$0x3FFC];
	_ =	sdelay $0x3  }
0x94: {  	_ =	strace s3  }
0x95: {  	s3 =	sld [smem:$0x3FFD];
	_ =	sdelay $0x3  }
0x96: {  	_ =	strace s3  }
0x97: {  	_ =	strace $0x8FFFFFFF  }
0x98: {  	s19 =	sld [smem:$0x3FDB];
	_ =	sdelay $0x1  }
0x99: {  	s4 =	simm.s32 $_scs_section_size  }
0x9a: {  	s5 =	simm.s32 $_size__tile_overlayer_lowered;
	s6 =	simm.s32 $_tile_overlayer_lowered  }
0x9b: {  	s22 =	simm.s32 $0x1BFF;
	s21 =	sshll.u32 s6, $0x1;
	s3 =	sadd.s32 s4, s19  }
0x9c: {  	s7 =	simm.s32 $0x0;
	s20 =	sshll.u32 s5, $0x1;
	s5 =	sadd.s32 s21, s3  }
0x9d: {  	[timem:s7], [sflag:s22] =	dma.local [hbm:s5], s20  }
0x9e: {  	_ =	swait.ge [sflag:s22], s20  }
0x9f: {  	s4 =	ssub.s32 $0x0, s20;
	[sflag:s22] =	ssyncset.done $0x0  }
0xa0: {  	[sflag:s22] =	ssyncadd.s32 s4;
	_ =	sdelay $0x1  }
0xa1: {  	s23 =	simm.s32 $0x1B8B  }
0xa2: {  	_ =	swait.ge [sflag:s23], $0x1  }
0xa3: {  	[sflag:s23] =	ssyncset.done $0x0  }
0xa4: {  	s25 =	simm.s32 $0x1B8E;
	s24 =	sld [smem:$0x3FFE];
	[sflag:s23] =	ssyncadd.s32 $0xFFFFFFFF  }
0xa5: {  	s26 =	simm.s32 $execute0_lowered;
	[smem:$0x3FD2] =	sst s25  }
0xa6: {  	s5 =	sshll.u32 s26, $0x1;
	_ =	strace $0x80000046;
	[dreg:$0x1] =	wrdreg $0xFFFFFFFF  }
0xa7: {  	s28 =	simm.s32 $_size_execute0_lowered;
	s3 =	sadd.s32 s3, s5;
	[dreg:$0x0] =	wrdreg $0x0  }
0xa8: {  	s5 =	sshll.u32 s28, $0x1;
	[dreg:$0x2] =	wrdreg s3  }
0xa9: {  	[dreg:$0x3] =	wrdreg s5  }
0xaa: {  	[dreg:$0x4] =	wrdreg $0xC0  }
0xab: {  	_ =	task [dreg:s7], $0x5FFFF  }
0xac: {  	[dreg:$0x1] =	wrdreg $0xFFFFFFFF  }
0xad: {  	[dreg:$0x0] =	wrdreg $0x60  }
0xae: {  	[dreg:$0x2] =	wrdreg s2  }
0xaf: {  	[dreg:$0x3] =	wrdreg s24  }
0xb0: {  	[dreg:$0x4] =	wrdreg $0x9  }
0xb1: {  	_ =	task.clear_ibuf [dreg:s7], $0x5FFFF;
	_ =	strace $0x90000046  }
0xb2: {  	s29 =	simm.s32 $0x9;
	_ =	strace $0x80000048  }
0xb3: {  	_ =	swait.ge [sflag:s29], $0x1  }
0xb4: {  	[sflag:s29] =	ssyncadd.s32 $0xFFFFFFFF  }
0xb5: {  	_ =	strace $0x90000048  }
0xb6: {  	_ =	sfence  }
0xb7: {  	s30 =	sld [smem:$0x0];
	_ =	sdelay $0x2  }
0xb8: {  	s31 =	sshll.u32 s1, $0xD;
	s1 =	sshrl.u32 s1, $0x2  }
0xb9: {  	s3 =	sand.u32 $0x4000, s31;
	s1 =	sadd.s32 s1, s30  }
0xba: {  	s0 =	sor.u32 s3, s0;
	s1 =	sshll.u32 s1, $0x11  }
0xbb: {  	s0 =	sor.u32 s1, s0  }
0xbc: {  	s0 =	sadd.s32 $0x8F2B, s0  }
0xbd: {  	[sflag:s0] =	ssyncadd.remote.s32 $0x1  }
0xbe: {  	_ =	sfence.sel $0xFFFF  }
0xbf: {  	[dreg:$0x0] =	wrdreg $0xFFFFFFFF;
	(pc) =	sbr.abs _section_cstart, $3  }
0xc0: {  	[dreg:$0x1] =	wrdreg $0xFFFFFFFF  }
0xc1: {  	_ =	task.clear_ibuf [dreg:s7], $0x2FFFF;
	_ =	strace $0x9FFFFFFF  }
0xc2: {  	(tm) =	ssettm $0x7FFFFFFF  }
0xc3: {  	_ =	shalt  }
tec
execute0_lowered:
.L_overlay_start_1:
0x0: {  	(tag) =	ssettag $0x1  }
0x1: {  	s2 =	rddreg [dreg:$0x0];
	s1 =	srdreg.scid  }
0x2: {  	s0 =	stileid.u32;
	s5 =	rddreg [dreg:$0x1]  }
0x3: {  	s3 =	simm.s32 $0x0;
	s12 =	simm.s32 $0xC400;
	s13 =	simm.s32 $0x3  }
0x4: {  	s14 =	simm.s32 $0x3AA0;
	s15 =	simm.s32 $0x62E0;
	s16 =	simm.s32 $0x9300  }
0x5: {  	s17 =	simm.s32 $0x1;
	s18 =	simm.s32 $0x18800;
	s19 =	simm.s32 $0x1A080  }
0x6: {  	s20 =	simm.s32 $0x2;
	s4 =	sand.u32 $0x1, s1;
	s6 =	sshll.u32 s0, $0x1  }
0x7: {  	s21 =	simm.s32 $0x0;
	s1 =	rddreg [dreg:$0x2];
	s7 =	sor.u32 s4, s6  }
0x8: {  	[smem:$0x7FF] =	sst s3;
	s8 =	ssub.s32 $0x2, s4;
	s6 =	smul.u32 $0x126000, s7  }
0x9: {  	_ =	strace $0x80000047;
	s4 =	sadd.s32 $0x600, s5;
	s9 =	sshrl.u32 s8, $0x1  }
0xa: {  	s5 =	sadd.s32 $0x2000, s5;
	s11 =	ssub.s32 s8, s9;
	s6 =	sshrl.u32 s6, $0x3  }
0xb: {  	s7 =	smul.u32 $0x18, s7;
	s11 =	smax.u32 s11, $0x1;
	s6 =	sadd.s32 s2, s6  }
0xc: {  	s8 =	sadd.s32 $0x754, s6;
	s9 =	sadd.s32 $0xC5C, s6;
	s10 =	sadd.s32 $0x1260, s6  }
.LBB2_1:
0xd: {  	[tilespmem:s12], [sflag:$0x3] =	stream.linear.gather [hbm4b:s4+s3], $0xC400, $0x38;
	[tilespmem:$0x1B900] =	vst v63  }
0xe: {  	_ =	swait.ge [sflag:s13], $0xC400  }
0xf: {  	[sflag:s13] =	ssyncset.done $0x0  }
0x10: {  	[sflag:s13] =	ssyncadd.s32 $0xFFFF3C00  }
0x11: {  	[tilespmem:s3], [sflag:$0x1] =	stream.linear.gather [hbm4b:s6+s3], $0x3AA0, $0x38;
	[tilespmem:$0x1B900] =	vst v63  }
0x12: {  	_ = 	snop  }
0x13: {  	[tilespmem:s14], [sflag:$0x1] =	stream.linear.gather [hbm4b:s8+s3], $0x2840, $0x38;
	[tilespmem:$0x1B900] =	vst v63  }
0x14: {  	_ = 	snop  }
0x15: {  	[tilespmem:s15], [sflag:$0x1] =	stream.linear.gather [hbm4b:s9+s3], $0x3020, $0x38;
	[tilespmem:$0x1B900] =	vst v63  }
0x16: {  	s22 =	simm.s32 $0x0  }
0x17: {  	[tilespmem:s16], [sflag:$0x1] =	stream.linear.gather [hbm4b:s10+s3], $0x3100, $0x38;
	[tilespmem:$0x1B900] =	vst v63  }
.LBB2_2:
0x18: {  	_ =	swait.ge [sflag:s17], $0x3AA0  }
0x19: {  	[sflag:s17] =	ssyncset.done $0x0  }
0x1a: {  	[sflag:s17] =	ssyncadd.s32 $0xFFFFC560  }
0x1b: {  	_ =	swait.ge [sflag:s17], $0x2840  }
0x1c: {  	[sflag:s17] =	ssyncset.done $0x0  }
0x1d: {  	s23 =	simm.s32 $0xC440;
	[sflag:s17] =	ssyncadd.s32 $0xFFFFD7C0  }
0x1e: {  	v0 =	vld [tilespmem:s23+$0x30]  }
0x1f: {  	v1 =	vld [tilespmem:s23+$0xFFFFFFD0]  }
0x20: {  	v2 =	vld [tilespmem:s23+$0xFFFFFFE0]  }
0x21: {  	v3 =	vld [tilespmem:s23+$0xFFFFFFF0]  }
0x22: {  	v6 =	vld [tilespmem:s23+$0x0]  }
0x23: {  	v7 =	vld [tilespmem:s23+$0x10]  }
0x24: {  	v8 =	vld [tilespmem:s23+$0x20]  }
0x25: {  	v9 =	vld [tilespmem:s23+$0xFFFFFFC0]  }
0x26: {  	v10 =	vld.idx.msk [tilespmem:v0+s3+$0x0], $0xffff  }
0x27: {  	v11 =	vld.idx.msk [tilespmem:v1+s3+$0x0], $0xffff  }
0x28: {  	v5 =	vld.idx.msk [tilespmem:v2+s3+$0x0], $0xffff  }
0x29: {  	v4 =	vld.idx.msk [tilespmem:v3+s3+$0x0], $0xffff  }
0x2a: {  	v2 =	vld.idx.msk [tilespmem:v6+s3+$0x0], $0xffff  }
0x2b: {  	s23 =	simm.s32 $0x18840;
	v0 =	vld.idx.msk [tilespmem:v7+s3+$0x0], $0xffff  }
0x2c: {  	v1 =	vld.idx.msk [tilespmem:v8+s3+$0x0], $0xffff;
	[tilespmem:s23+$0x30] =	vst v10  }
0x2d: {  	s24 =	simm.s32 $0x0;
	s25 =	simm.s32 $0xC4C0;
	v3 =	vld.idx.msk [tilespmem:v9+s3+$0x0], $0xffff;
	[tilespmem:s23+$0xFFFFFFD0] =	vst v11  }
.LBB2_3:
0x2e: {  	v6 =	vld [tilespmem:s25+$0x30];
	s24 =	sadd.s32 $0x8, s24;
	[tilespmem:s23+$0xFFFFFFE0] =	vst v5  }
0x2f: {  	v5 =	vld [tilespmem:s25+$0xFFFFFFD0];
	p0 =	slt.u32 s24, $0x180;
	[tilespmem:s23+$0xFFFFFFF0] =	vst v4  }
0x30: {  	v4 =	vld [tilespmem:s25+$0xFFFFFFE0];
	[tilespmem:s23+$0x0] =	vst v2  }
0x31: {  	v2 =	vld [tilespmem:s25+$0xFFFFFFF0];
	[tilespmem:s23+$0x10] =	vst v0  }
0x32: {  	v0 =	vld [tilespmem:s25+$0x0];
	[tilespmem:s23+$0x20] =	vst v1  }
0x33: {  	v1 =	vld [tilespmem:s25+$0x10];
	[tilespmem:s23+$0xFFFFFFC0] =	vst v3  }
0x34: {  	v3 =	vld [tilespmem:s25+$0x20]  }
0x35: {  	v7 =	vld [tilespmem:s25+$0xFFFFFFC0]  }
0x36: {  	v6 =	vld.idx.msk [tilespmem:v6+s3+$0x0], $0xffff  }
0x37: {  	v8 =	vld.idx.msk [tilespmem:v5+s3+$0x0], $0xffff  }
0x38: {  	v5 =	vld.idx.msk [tilespmem:v4+s3+$0x0], $0xffff  }
.Ltmp0:
0x39: {  	v4 =	vld.idx.msk [tilespmem:v2+s3+$0x0], $0xffff;
	(pc) =	sbr.rel @p0 .LBB2_3-.Ltmp0, $4  }
0x3a: {  	v2 =	vld.idx.msk [tilespmem:v0+s3+$0x0], $0xffff  }
0x3b: {  	s23 =	sadd.s32 $0x80, s23;
	v0 =	vld.idx.msk [tilespmem:v1+s3+$0x0], $0xffff  }
0x3c: {  	v1 =	vld.idx.msk [tilespmem:v3+s3+$0x0], $0xffff;
	[tilespmem:s23+$0x30] =	vst v6  }
0x3d: {  	s25 =	sadd.s32 $0x80, s25;
	v3 =	vld.idx.msk [tilespmem:v7+s3+$0x0], $0xffff;
	[tilespmem:s23+$0xFFFFFFD0] =	vst v8  }
0x3e: {  	[tilespmem:s23+$0xFFFFFFE0] =	vst v5  }
0x3f: {  	[tilespmem:s23+$0xFFFFFFF0] =	vst v4;
	s24 =	sadd.s32 s7, s22  }
0x40: {  	[tilespmem:s23+$0x0] =	vst v2;
	s25 =	smul.u32 $0xC400, s24  }
0x41: {  	[tilespmem:s23+$0x10] =	vst v0  }
0x42: {  	[tilespmem:s23+$0x20] =	vst v1;
	s25 =	sshrl.u32 s25, $0x3  }
0x43: {  	[tilespmem:s23+$0xFFFFFFC0] =	vst v3;
	s23 =	sadd.s32 s5, s25  }
0x44: {  	[hbm4b:s23+s3] =	stream.linear.scatter [tilespmem:s18], [sflag:$0x2], $0x1880, $0x38;
	[tilespmem:$0x1B900] =	vst v63  }
0x45: {  	_ =	swait.ge [sflag:s17], $0x3020  }
0x46: {  	[sflag:s17] =	ssyncset.done $0x0  }
0x47: {  	s31 =	simm.s32 $0xDCF0;
	[sflag:s17] =	ssyncadd.s32 $0xFFFFCFE0  }
0x48: {  	v0 =	vld [tilespmem:s31+$0x0]  }
0x49: {  	v1 =	vld [tilespmem:s31+$0xFFFFFFA0]  }
0x4a: {  	v2 =	vld [tilespmem:s31+$0xFFFFFFB0]  }
0x4b: {  	v3 =	vld [tilespmem:s31+$0xFFFFFFC0]  }
0x4c: {  	v4 =	vld [tilespmem:s31+$0xFFFFFFD0]  }
0x4d: {  	v6 =	vld [tilespmem:s31+$0xFFFFFFE0]  }
0x4e: {  	v7 =	vld [tilespmem:s31+$0xFFFFFFF0]  }
0x4f: {  	v8 =	vld [tilespmem:s31+$0xFFFFFF90]  }
0x50: {  	v9 =	vld.idx.msk [tilespmem:v0+s3+$0x0], $0xffff  }
0x51: {  	v10 =	vld.idx.msk [tilespmem:v1+s3+$0x0], $0xffff  }
0x52: {  	v5 =	vld.idx.msk [tilespmem:v2+s3+$0x0], $0xffff  }
0x53: {  	v3 =	vld.idx.msk [tilespmem:v3+s3+$0x0], $0xffff  }
0x54: {  	v0 =	vld.idx.msk [tilespmem:v4+s3+$0x0], $0xffff  }
0x55: {  	s25 =	simm.s32 $0x1A0C0;
	v1 =	vld.idx.msk [tilespmem:v6+s3+$0x0], $0xffff  }
0x56: {  	v2 =	vld.idx.msk [tilespmem:v7+s3+$0x0], $0xffff;
	[tilespmem:s25+$0x30] =	vst v9  }
0x57: {  	s26 =	simm.s32 $0x0;
	s28 =	simm.s32 $0xDD70;
	v4 =	vld.idx.msk [tilespmem:v8+s3+$0x0], $0xffff;
	[tilespmem:s25+$0xFFFFFFD0] =	vst v10  }
.LBB2_5:
0x58: {  	v6 =	vld [tilespmem:s28+$0x0];
	s26 =	sadd.s32 $0x8, s26;
	[tilespmem:s25+$0xFFFFFFE0] =	vst v5  }
0x59: {  	v5 =	vld [tilespmem:s28+$0xFFFFFFA0];
	p0 =	slt.u32 s26, $0x180;
	[tilespmem:s25+$0xFFFFFFF0] =	vst v3  }
0x5a: {  	v3 =	vld [tilespmem:s28+$0xFFFFFFB0];
	[tilespmem:s25+$0x0] =	vst v0  }
0x5b: {  	v0 =	vld [tilespmem:s28+$0xFFFFFFC0];
	[tilespmem:s25+$0x10] =	vst v1  }
0x5c: {  	v1 =	vld [tilespmem:s28+$0xFFFFFFD0];
	[tilespmem:s25+$0x20] =	vst v2  }
0x5d: {  	v2 =	vld [tilespmem:s28+$0xFFFFFFE0];
	[tilespmem:s25+$0xFFFFFFC0] =	vst v4  }
0x5e: {  	v4 =	vld [tilespmem:s28+$0xFFFFFFF0]  }
0x5f: {  	v7 =	vld [tilespmem:s28+$0xFFFFFF90]  }
0x60: {  	v6 =	vld.idx.msk [tilespmem:v6+s3+$0x0], $0xffff  }
0x61: {  	v8 =	vld.idx.msk [tilespmem:v5+s3+$0x0], $0xffff  }
0x62: {  	v5 =	vld.idx.msk [tilespmem:v3+s3+$0x0], $0xffff  }
.Ltmp1:
0x63: {  	v3 =	vld.idx.msk [tilespmem:v0+s3+$0x0], $0xffff;
	(pc) =	sbr.rel @p0 .LBB2_5-.Ltmp1, $4  }
0x64: {  	v0 =	vld.idx.msk [tilespmem:v1+s3+$0x0], $0xffff  }
0x65: {  	s25 =	sadd.s32 $0x80, s25;
	v1 =	vld.idx.msk [tilespmem:v2+s3+$0x0], $0xffff  }
0x66: {  	v2 =	vld.idx.msk [tilespmem:v4+s3+$0x0], $0xffff;
	[tilespmem:s25+$0x30] =	vst v6  }
0x67: {  	s28 =	sadd.s32 $0x80, s28;
	v4 =	vld.idx.msk [tilespmem:v7+s3+$0x0], $0xffff;
	[tilespmem:s25+$0xFFFFFFD0] =	vst v8  }
0x68: {  	[tilespmem:s25+$0xFFFFFFE0] =	vst v5  }
0x69: {  	[tilespmem:s25+$0xFFFFFFF0] =	vst v3  }
0x6a: {  	[tilespmem:s25+$0x0] =	vst v0  }
0x6b: {  	[tilespmem:s25+$0x10] =	vst v1  }
0x6c: {  	[tilespmem:s25+$0x20] =	vst v2  }
0x6d: {  	s30 =	sadd.s32 $0x310, s23;
	[tilespmem:s25+$0xFFFFFFC0] =	vst v4  }
0x6e: {  	[hbm4b:s30+s3] =	stream.linear.scatter [tilespmem:s19], [sflag:$0x2], $0x1880, $0x38;
	[tilespmem:$0x1B900] =	vst v63  }
0x6f: {  	_ =	swait.ge [sflag:s17], $0x3100  }
0x70: {  	[sflag:s17] =	ssyncset.done $0x0  }
0x71: {  	[sflag:s17] =	ssyncadd.s32 $0xFFFFCF00  }
0x72: {  	_ =	swait.ge [sflag:s20], $0x1880  }
0x73: {  	[sflag:s20] =	ssyncset.done $0x0  }
0x74: {  	s31 =	simm.s32 $0xF570;
	[sflag:s20] =	ssyncadd.s32 $0xFFFFE780  }
0x75: {  	v0 =	vld [tilespmem:s31+$0x0]  }
0x76: {  	v1 =	vld [tilespmem:s31+$0xFFFFFFA0]  }
0x77: {  	v2 =	vld [tilespmem:s31+$0xFFFFFFB0]  }
0x78: {  	v3 =	vld [tilespmem:s31+$0xFFFFFFC0]  }
0x79: {  	v4 =	vld [tilespmem:s31+$0xFFFFFFD0]  }
0x7a: {  	v6 =	vld [tilespmem:s31+$0xFFFFFFE0]  }
0x7b: {  	v7 =	vld [tilespmem:s31+$0xFFFFFFF0]  }
0x7c: {  	v8 =	vld [tilespmem:s31+$0xFFFFFF90]  }
0x7d: {  	v9 =	vld.idx.msk [tilespmem:v0+s3+$0x0], $0xffff  }
0x7e: {  	v10 =	vld.idx.msk [tilespmem:v1+s3+$0x0], $0xffff  }
0x7f: {  	v5 =	vld.idx.msk [tilespmem:v2+s3+$0x0], $0xffff  }
0x80: {  	v3 =	vld.idx.msk [tilespmem:v3+s3+$0x0], $0xffff  }
0x81: {  	v0 =	vld.idx.msk [tilespmem:v4+s3+$0x0], $0xffff  }
0x82: {  	s25 =	simm.s32 $0x18840;
	v1 =	vld.idx.msk [tilespmem:v6+s3+$0x0], $0xffff  }
0x83: {  	v2 =	vld.idx.msk [tilespmem:v7+s3+$0x0], $0xffff;
	[tilespmem:s25+$0x30] =	vst v9  }
0x84: {  	s26 =	simm.s32 $0x0;
	s28 =	simm.s32 $0xF5F0;
	v4 =	vld.idx.msk [tilespmem:v8+s3+$0x0], $0xffff;
	[tilespmem:s25+$0xFFFFFFD0] =	vst v10  }
.LBB2_7:
0x85: {  	v6 =	vld [tilespmem:s28+$0x0];
	s26 =	sadd.s32 $0x8, s26;
	[tilespmem:s25+$0xFFFFFFE0] =	vst v5  }
0x86: {  	v5 =	vld [tilespmem:s28+$0xFFFFFFA0];
	p0 =	slt.u32 s26, $0x180;
	[tilespmem:s25+$0xFFFFFFF0] =	vst v3  }
0x87: {  	v3 =	vld [tilespmem:s28+$0xFFFFFFB0];
	[tilespmem:s25+$0x0] =	vst v0  }
0x88: {  	v0 =	vld [tilespmem:s28+$0xFFFFFFC0];
	[tilespmem:s25+$0x10] =	vst v1  }
0x89: {  	v1 =	vld [tilespmem:s28+$0xFFFFFFD0];
	[tilespmem:s25+$0x20] =	vst v2  }
0x8a: {  	v2 =	vld [tilespmem:s28+$0xFFFFFFE0];
	[tilespmem:s25+$0xFFFFFFC0] =	vst v4  }
0x8b: {  	v4 =	vld [tilespmem:s28+$0xFFFFFFF0]  }
0x8c: {  	v7 =	vld [tilespmem:s28+$0xFFFFFF90]  }
0x8d: {  	v6 =	vld.idx.msk [tilespmem:v6+s3+$0x0], $0xffff  }
0x8e: {  	v8 =	vld.idx.msk [tilespmem:v5+s3+$0x0], $0xffff  }
0x8f: {  	v5 =	vld.idx.msk [tilespmem:v3+s3+$0x0], $0xffff  }
.Ltmp2:
0x90: {  	v3 =	vld.idx.msk [tilespmem:v0+s3+$0x0], $0xffff;
	(pc) =	sbr.rel @p0 .LBB2_7-.Ltmp2, $4  }
0x91: {  	v0 =	vld.idx.msk [tilespmem:v1+s3+$0x0], $0xffff  }
0x92: {  	s25 =	sadd.s32 $0x80, s25;
	v1 =	vld.idx.msk [tilespmem:v2+s3+$0x0], $0xffff  }
0x93: {  	v2 =	vld.idx.msk [tilespmem:v4+s3+$0x0], $0xffff;
	[tilespmem:s25+$0x30] =	vst v6  }
0x94: {  	s28 =	sadd.s32 $0x80, s28;
	v4 =	vld.idx.msk [tilespmem:v7+s3+$0x0], $0xffff;
	[tilespmem:s25+$0xFFFFFFD0] =	vst v8  }
0x95: {  	[tilespmem:s25+$0xFFFFFFE0] =	vst v5  }
0x96: {  	[tilespmem:s25+$0xFFFFFFF0] =	vst v3  }
0x97: {  	[tilespmem:s25+$0x0] =	vst v0  }
0x98: {  	[tilespmem:s25+$0x10] =	vst v1  }
0x99: {  	[tilespmem:s25+$0x20] =	vst v2  }
0x9a: {  	s31 =	sadd.s32 $0x620, s23;
	s26 =	simm.s32 $0x0;
	[tilespmem:s25+$0xFFFFFFC0] =	vst v4  }
0x9b: {  	[hbm4b:s31+s26] =	stream.linear.scatter [tilespmem:s18], [sflag:$0x2], $0x1880, $0x38;
	[tilespmem:$0x1B900] =	vst v63  }
0x9c: {  	_ =	swait.ge [sflag:s20], $0x1880  }
0x9d: {  	[sflag:s20] =	ssyncset.done $0x0  }
0x9e: {  	s25 =	simm.s32 $0x0;
	[sflag:s20] =	ssyncadd.s32 $0xFFFFE780  }
0x9f: {  	v1 =	vld [tilespmem:s25+$0x10DF0]  }
0xa0: {  	v2 =	vld [tilespmem:s25+$0x10D80]  }
0xa1: {  	v3 =	vld [tilespmem:s25+$0x10D90]  }
0xa2: {  	v4 =	vld [tilespmem:s25+$0x10DA0]  }
0xa3: {  	v7 =	vld [tilespmem:s25+$0x10DB0]  }
0xa4: {  	v8 =	vld [tilespmem:s25+$0x10DC0]  }
0xa5: {  	v9 =	vld [tilespmem:s25+$0x10DD0]  }
0xa6: {  	v0 =	vld [tilespmem:s25+$0x10DE0]  }
0xa7: {  	v10 =	vld.idx.msk [tilespmem:v1+s3+$0x0], $0xffff  }
0xa8: {  	v6 =	vld.idx.msk [tilespmem:v2+s3+$0x0], $0xffff  }
0xa9: {  	v5 =	vld.idx.msk [tilespmem:v3+s3+$0x0], $0xffff  }
0xaa: {  	v4 =	vld.idx.msk [tilespmem:v4+s3+$0x0], $0xffff  }
0xab: {  	v3 =	vld.idx.msk [tilespmem:v7+s3+$0x0], $0xffff  }
0xac: {  	v1 =	vld.idx.msk [tilespmem:v8+s3+$0x0], $0xffff  }
0xad: {  	s28 =	simm.s32 $0x200;
	s26 =	simm.s32 $0x0;
	v2 =	vld.idx.msk [tilespmem:v9+s3+$0x0], $0xffff;
	[tilespmem:s25+$0x1A0F0] =	vst v10  }
.LBB2_9:
0xae: {  	s29 =	sshra.s32 s28, $0x2;
	s26 =	sadd.s32 $0x8, s26;
	[tilespmem:s25+$0x1A080] =	vst v6;
	v0 =	vld.idx.msk [tilespmem:v0+s3+$0x0], $0xffff  }
0xaf: {  	v6 =	vld [tilespmem:s29+$0x10DF0];
	p0 =	slt.u32 s26, $0x180;
	[tilespmem:s25+$0x1A090] =	vst v5  }
0xb0: {  	v5 =	vld [tilespmem:s29+$0x10D80];
	[tilespmem:s25+$0x1A0A0] =	vst v4  }
0xb1: {  	v4 =	vld [tilespmem:s29+$0x10D90];
	[tilespmem:s25+$0x1A0B0] =	vst v3  }
0xb2: {  	v3 =	vld [tilespmem:s29+$0x10DA0];
	[tilespmem:s25+$0x1A0C0] =	vst v1  }
0xb3: {  	v1 =	vld [tilespmem:s29+$0x10DB0];
	[tilespmem:s25+$0x1A0D0] =	vst v2  }
0xb4: {  	v2 =	vld [tilespmem:s29+$0x10DC0];
	[tilespmem:s25+$0x1A0E0] =	vst v0;
	s25 =	smov.u32 s29  }
0xb5: {  	v7 =	vld [tilespmem:s25+$0x10DD0]  }
0xb6: {  	v0 =	vld [tilespmem:s25+$0x10DE0]  }
0xb7: {  	v8 =	vld.idx.msk [tilespmem:v6+s3+$0x0], $0xffff  }
0xb8: {  	v6 =	vld.idx.msk [tilespmem:v5+s3+$0x0], $0xffff  }
.Ltmp3:
0xb9: {  	v5 =	vld.idx.msk [tilespmem:v4+s3+$0x0], $0xffff;
	(pc) =	sbr.rel @p0 .LBB2_9-.Ltmp3, $4  }
0xba: {  	v4 =	vld.idx.msk [tilespmem:v3+s3+$0x0], $0xffff  }
0xbb: {  	v3 =	vld.idx.msk [tilespmem:v1+s3+$0x0], $0xffff  }
0xbc: {  	v1 =	vld.idx.msk [tilespmem:v2+s3+$0x0], $0xffff  }
0xbd: {  	s28 =	sadd.s32 $0x200, s28;
	v2 =	vld.idx.msk [tilespmem:v7+s3+$0x0], $0xffff;
	[tilespmem:s25+$0x1A0F0] =	vst v8  }
0xbe: {  	_ =	sdelay $0x2  }
0xbf: {  	[tilespmem:s25+$0x1A080] =	vst v6  }
0xc0: {  	v0 =	vld.idx.msk [tilespmem:v0+s3+$0x0], $0xffff;
	[tilespmem:s25+$0x1A090] =	vst v5  }
0xc1: {  	[tilespmem:s25+$0x1A0A0] =	vst v4  }
0xc2: {  	[tilespmem:s25+$0x1A0B0] =	vst v3  }
0xc3: {  	[tilespmem:s25+$0x1A0C0] =	vst v1  }
0xc4: {  	[tilespmem:s25+$0x1A0D0] =	vst v2  }
0xc5: {  	s31 =	sadd.s32 $0x930, s23;
	s26 =	simm.s32 $0x0;
	[tilespmem:s25+$0x1A0E0] =	vst v0  }
0xc6: {  	[hbm4b:s31+s26] =	stream.linear.scatter [tilespmem:s19], [sflag:$0x2], $0x1880, $0x38;
	[tilespmem:$0x1B900] =	vst v63  }
0xc7: {  	_ =	swait.ge [sflag:s20], $0x1880  }
0xc8: {  	[sflag:s20] =	ssyncset.done $0x0  }
0xc9: {  	s25 =	simm.s32 $0x0;
	[sflag:s20] =	ssyncadd.s32 $0xFFFFE780  }
0xca: {  	v1 =	vld [tilespmem:s25+$0x12670]  }
0xcb: {  	v2 =	vld [tilespmem:s25+$0x12600]  }
0xcc: {  	v3 =	vld [tilespmem:s25+$0x12610]  }
0xcd: {  	v4 =	vld [tilespmem:s25+$0x12620]  }
0xce: {  	v7 =	vld [tilespmem:s25+$0x12630]  }
0xcf: {  	v8 =	vld [tilespmem:s25+$0x12640]  }
0xd0: {  	v9 =	vld [tilespmem:s25+$0x12650]  }
0xd1: {  	v0 =	vld [tilespmem:s25+$0x12660]  }
0xd2: {  	v10 =	vld.idx.msk [tilespmem:v1+s3+$0x0], $0xffff  }
0xd3: {  	v6 =	vld.idx.msk [tilespmem:v2+s3+$0x0], $0xffff  }
0xd4: {  	v5 =	vld.idx.msk [tilespmem:v3+s3+$0x0], $0xffff  }
0xd5: {  	v4 =	vld.idx.msk [tilespmem:v4+s3+$0x0], $0xffff  }
0xd6: {  	v3 =	vld.idx.msk [tilespmem:v7+s3+$0x0], $0xffff  }
0xd7: {  	v1 =	vld.idx.msk [tilespmem:v8+s3+$0x0], $0xffff  }
0xd8: {  	s28 =	simm.s32 $0x200;
	s26 =	simm.s32 $0x0;
	v2 =	vld.idx.msk [tilespmem:v9+s3+$0x0], $0xffff;
	[tilespmem:s25+$0x18870] =	vst v10  }
.LBB2_11:
0xd9: {  	s29 =	sshra.s32 s28, $0x2;
	s26 =	sadd.s32 $0x8, s26;
	[tilespmem:s25+$0x18800] =	vst v6;
	v0 =	vld.idx.msk [tilespmem:v0+s3+$0x0], $0xffff  }
0xda: {  	v6 =	vld [tilespmem:s29+$0x12670];
	p0 =	slt.u32 s26, $0x180;
	[tilespmem:s25+$0x18810] =	vst v5  }
0xdb: {  	v5 =	vld [tilespmem:s29+$0x12600];
	[tilespmem:s25+$0x18820] =	vst v4  }
0xdc: {  	v4 =	vld [tilespmem:s29+$0x12610];
	[tilespmem:s25+$0x18830] =	vst v3  }
0xdd: {  	v3 =	vld [tilespmem:s29+$0x12620];
	[tilespmem:s25+$0x18840] =	vst v1  }
0xde: {  	v1 =	vld [tilespmem:s29+$0x12630];
	[tilespmem:s25+$0x18850] =	vst v2  }
0xdf: {  	v2 =	vld [tilespmem:s29+$0x12640];
	[tilespmem:s25+$0x18860] =	vst v0;
	s25 =	smov.u32 s29  }
0xe0: {  	v7 =	vld [tilespmem:s25+$0x12650]  }
0xe1: {  	v0 =	vld [tilespmem:s25+$0x12660]  }
0xe2: {  	v8 =	vld.idx.msk [tilespmem:v6+s3+$0x0], $0xffff  }
0xe3: {  	v6 =	vld.idx.msk [tilespmem:v5+s3+$0x0], $0xffff  }
.Ltmp4:
0xe4: {  	v5 =	vld.idx.msk [tilespmem:v4+s3+$0x0], $0xffff;
	(pc) =	sbr.rel @p0 .LBB2_11-.Ltmp4, $4  }
0xe5: {  	v4 =	vld.idx.msk [tilespmem:v3+s3+$0x0], $0xffff  }
0xe6: {  	v3 =	vld.idx.msk [tilespmem:v1+s3+$0x0], $0xffff  }
0xe7: {  	v1 =	vld.idx.msk [tilespmem:v2+s3+$0x0], $0xffff  }
0xe8: {  	s28 =	sadd.s32 $0x200, s28;
	v2 =	vld.idx.msk [tilespmem:v7+s3+$0x0], $0xffff;
	[tilespmem:s25+$0x18870] =	vst v8  }
0xe9: {  	_ =	sdelay $0x2  }
0xea: {  	[tilespmem:s25+$0x18800] =	vst v6  }
0xeb: {  	v0 =	vld.idx.msk [tilespmem:v0+s3+$0x0], $0xffff;
	[tilespmem:s25+$0x18810] =	vst v5  }
0xec: {  	[tilespmem:s25+$0x18820] =	vst v4  }
0xed: {  	[tilespmem:s25+$0x18830] =	vst v3  }
0xee: {  	[tilespmem:s25+$0x18840] =	vst v1  }
0xef: {  	[tilespmem:s25+$0x18850] =	vst v2  }
0xf0: {  	s31 =	sadd.s32 $0xC40, s23;
	s26 =	simm.s32 $0x0;
	[tilespmem:s25+$0x18860] =	vst v0  }
0xf1: {  	[hbm4b:s31+s26] =	stream.linear.scatter [tilespmem:s18], [sflag:$0x2], $0x1880, $0x38;
	[tilespmem:$0x1B900] =	vst v63  }
0xf2: {  	_ =	swait.ge [sflag:s20], $0x1880  }
0xf3: {  	[sflag:s20] =	ssyncset.done $0x0  }
0xf4: {  	s25 =	simm.s32 $0x0;
	[sflag:s20] =	ssyncadd.s32 $0xFFFFE780  }
0xf5: {  	v1 =	vld [tilespmem:s25+$0x13EF0]  }
0xf6: {  	v2 =	vld [tilespmem:s25+$0x13E80]  }
0xf7: {  	v3 =	vld [tilespmem:s25+$0x13E90]  }
0xf8: {  	v4 =	vld [tilespmem:s25+$0x13EA0]  }
0xf9: {  	v7 =	vld [tilespmem:s25+$0x13EB0]  }
0xfa: {  	v8 =	vld [tilespmem:s25+$0x13EC0]  }
0xfb: {  	v9 =	vld [tilespmem:s25+$0x13ED0]  }
0xfc: {  	v0 =	vld [tilespmem:s25+$0x13EE0]  }
0xfd: {  	v10 =	vld.idx.msk [tilespmem:v1+s3+$0x0], $0xffff  }
0xfe: {  	v6 =	vld.idx.msk [tilespmem:v2+s3+$0x0], $0xffff  }
0xff: {  	v5 =	vld.idx.msk [tilespmem:v3+s3+$0x0], $0xffff  }
0x100: {  	v4 =	vld.idx.msk [tilespmem:v4+s3+$0x0], $0xffff  }
0x101: {  	v3 =	vld.idx.msk [tilespmem:v7+s3+$0x0], $0xffff  }
0x102: {  	v2 =	vld.idx.msk [tilespmem:v8+s3+$0x0], $0xffff  }
0x103: {  	s28 =	simm.s32 $0x200;
	s26 =	simm.s32 $0x0;
	v1 =	vld.idx.msk [tilespmem:v9+s3+$0x0], $0xffff;
	[tilespmem:s25+$0x1A0F0] =	vst v10  }
.LBB2_13:
0x104: {  	s29 =	sshra.s32 s28, $0x2;
	s26 =	sadd.s32 $0x8, s26;
	[tilespmem:s25+$0x1A080] =	vst v6;
	v0 =	vld.idx.msk [tilespmem:v0+s3+$0x0], $0xffff  }
0x105: {  	v6 =	vld [tilespmem:s29+$0x13EF0];
	p0 =	slt.u32 s26, $0x180;
	[tilespmem:s25+$0x1A090] =	vst v5  }
0x106: {  	v5 =	vld [tilespmem:s29+$0x13E80];
	[tilespmem:s25+$0x1A0A0] =	vst v4  }
0x107: {  	v4 =	vld [tilespmem:s29+$0x13E90];
	[tilespmem:s25+$0x1A0B0] =	vst v3  }
0x108: {  	v3 =	vld [tilespmem:s29+$0x13EA0];
	[tilespmem:s25+$0x1A0C0] =	vst v2  }
0x109: {  	v2 =	vld [tilespmem:s29+$0x13EB0];
	[tilespmem:s25+$0x1A0D0] =	vst v1  }
0x10a: {  	v1 =	vld [tilespmem:s29+$0x13EC0];
	[tilespmem:s25+$0x1A0E0] =	vst v0;
	s25 =	smov.u32 s29  }
0x10b: {  	v7 =	vld [tilespmem:s25+$0x13ED0]  }
0x10c: {  	v0 =	vld [tilespmem:s25+$0x13EE0]  }
0x10d: {  	v8 =	vld.idx.msk [tilespmem:v6+s3+$0x0], $0xffff  }
0x10e: {  	v6 =	vld.idx.msk [tilespmem:v5+s3+$0x0], $0xffff  }
.Ltmp5:
0x10f: {  	v5 =	vld.idx.msk [tilespmem:v4+s3+$0x0], $0xffff;
	(pc) =	sbr.rel @p0 .LBB2_13-.Ltmp5, $4  }
0x110: {  	v4 =	vld.idx.msk [tilespmem:v3+s3+$0x0], $0xffff  }
0x111: {  	v3 =	vld.idx.msk [tilespmem:v2+s3+$0x0], $0xffff  }
0x112: {  	v2 =	vld.idx.msk [tilespmem:v1+s3+$0x0], $0xffff  }
0x113: {  	s28 =	sadd.s32 $0x200, s28;
	v1 =	vld.idx.msk [tilespmem:v7+s3+$0x0], $0xffff;
	[tilespmem:s25+$0x1A0F0] =	vst v8  }
0x114: {  	_ =	sdelay $0x2  }
0x115: {  	[tilespmem:s25+$0x1A080] =	vst v6  }
0x116: {  	v0 =	vld.idx.msk [tilespmem:v0+s3+$0x0], $0xffff;
	[tilespmem:s25+$0x1A090] =	vst v5;
	p0 =	slt.s32 s24, $0x2FE  }
0x117: {  	[tilespmem:s25+$0x1A0A0] =	vst v4;
	s24 =	simm.s32 @!p0 $0x2FE  }
0x118: {  	[tilespmem:s25+$0x1A0B0] =	vst v3;
	s24 =	smul.u32 $0xC400, s24  }
0x119: {  	[tilespmem:s25+$0x1A0C0] =	vst v2  }
0x11a: {  	[tilespmem:s25+$0x1A0D0] =	vst v1;
	s24 =	sshrl.u32 s24, $0x3  }
0x11b: {  	s30 =	sadd.s32 $0xF50, s23;
	s26 =	simm.s32 $0x0;
	[tilespmem:s25+$0x1A0E0] =	vst v0;
	s24 =	sadd.s32 s2, s24  }
0x11c: {  	[hbm4b:s30+s26] =	stream.linear.scatter [tilespmem:s19], [sflag:$0x2], $0x1880, $0x38;
	[tilespmem:$0x1B900] =	vst v63  }
0x11d: {  	s31 =	sadd.s32 $0x1880, s24  }
0x11e: {  	[tilespmem:s26], [sflag:$0x1] =	stream.linear.gather [hbm4b:s31+s26], $0x3AA0, $0x38;
	[tilespmem:$0x1B900] =	vst v63  }
0x11f: {  	_ =	swait.ge [sflag:s20], $0x1880  }
0x120: {  	[sflag:s20] =	ssyncset.done $0x0  }
0x121: {  	s25 =	simm.s32 $0x0;
	[sflag:s20] =	ssyncadd.s32 $0xFFFFE780  }
0x122: {  	v1 =	vld [tilespmem:s25+$0x15770]  }
0x123: {  	v2 =	vld [tilespmem:s25+$0x15700]  }
0x124: {  	v3 =	vld [tilespmem:s25+$0x15710]  }
0x125: {  	v4 =	vld [tilespmem:s25+$0x15720]  }
0x126: {  	v7 =	vld [tilespmem:s25+$0x15730]  }
0x127: {  	v8 =	vld [tilespmem:s25+$0x15740]  }
0x128: {  	v9 =	vld [tilespmem:s25+$0x15750]  }
0x129: {  	v0 =	vld [tilespmem:s25+$0x15760]  }
0x12a: {  	v10 =	vld.idx.msk [tilespmem:v1+s3+$0x0], $0xffff  }
0x12b: {  	v6 =	vld.idx.msk [tilespmem:v2+s3+$0x0], $0xffff  }
0x12c: {  	v5 =	vld.idx.msk [tilespmem:v3+s3+$0x0], $0xffff  }
0x12d: {  	v4 =	vld.idx.msk [tilespmem:v4+s3+$0x0], $0xffff  }
0x12e: {  	v3 =	vld.idx.msk [tilespmem:v7+s3+$0x0], $0xffff  }
0x12f: {  	v1 =	vld.idx.msk [tilespmem:v8+s3+$0x0], $0xffff  }
0x130: {  	s28 =	simm.s32 $0x200;
	s26 =	simm.s32 $0x0;
	v2 =	vld.idx.msk [tilespmem:v9+s3+$0x0], $0xffff;
	[tilespmem:s25+$0x18870] =	vst v10  }
.LBB2_15:
0x131: {  	s29 =	sshra.s32 s28, $0x2;
	s26 =	sadd.s32 $0x8, s26;
	[tilespmem:s25+$0x18800] =	vst v6;
	v0 =	vld.idx.msk [tilespmem:v0+s3+$0x0], $0xffff  }
0x132: {  	v6 =	vld [tilespmem:s29+$0x15770];
	p0 =	slt.u32 s26, $0x180;
	[tilespmem:s25+$0x18810] =	vst v5  }
0x133: {  	v5 =	vld [tilespmem:s29+$0x15700];
	[tilespmem:s25+$0x18820] =	vst v4  }
0x134: {  	v4 =	vld [tilespmem:s29+$0x15710];
	[tilespmem:s25+$0x18830] =	vst v3  }
0x135: {  	v3 =	vld [tilespmem:s29+$0x15720];
	[tilespmem:s25+$0x18840] =	vst v1  }
0x136: {  	v1 =	vld [tilespmem:s29+$0x15730];
	[tilespmem:s25+$0x18850] =	vst v2  }
0x137: {  	v2 =	vld [tilespmem:s29+$0x15740];
	[tilespmem:s25+$0x18860] =	vst v0;
	s25 =	smov.u32 s29  }
0x138: {  	v7 =	vld [tilespmem:s25+$0x15750]  }
0x139: {  	v0 =	vld [tilespmem:s25+$0x15760]  }
0x13a: {  	v8 =	vld.idx.msk [tilespmem:v6+s3+$0x0], $0xffff  }
0x13b: {  	v6 =	vld.idx.msk [tilespmem:v5+s3+$0x0], $0xffff  }
.Ltmp6:
0x13c: {  	v5 =	vld.idx.msk [tilespmem:v4+s3+$0x0], $0xffff;
	(pc) =	sbr.rel @p0 .LBB2_15-.Ltmp6, $4  }
0x13d: {  	v4 =	vld.idx.msk [tilespmem:v3+s3+$0x0], $0xffff  }
0x13e: {  	v3 =	vld.idx.msk [tilespmem:v1+s3+$0x0], $0xffff  }
0x13f: {  	v1 =	vld.idx.msk [tilespmem:v2+s3+$0x0], $0xffff  }
0x140: {  	s28 =	sadd.s32 $0x200, s28;
	v2 =	vld.idx.msk [tilespmem:v7+s3+$0x0], $0xffff;
	[tilespmem:s25+$0x18870] =	vst v8  }
0x141: {  	_ =	sdelay $0x2  }
0x142: {  	[tilespmem:s25+$0x18800] =	vst v6  }
0x143: {  	v0 =	vld.idx.msk [tilespmem:v0+s3+$0x0], $0xffff;
	[tilespmem:s25+$0x18810] =	vst v5  }
0x144: {  	[tilespmem:s25+$0x18820] =	vst v4  }
0x145: {  	[tilespmem:s25+$0x18830] =	vst v3  }
0x146: {  	[tilespmem:s25+$0x18840] =	vst v1  }
0x147: {  	[tilespmem:s25+$0x18850] =	vst v2  }
0x148: {  	s30 =	sadd.s32 $0x1260, s23;
	s26 =	simm.s32 $0x0;
	[tilespmem:s25+$0x18860] =	vst v0  }
0x149: {  	[hbm4b:s30+s26] =	stream.linear.scatter [tilespmem:s18], [sflag:$0x2], $0x1880, $0x38;
	[tilespmem:$0x1B900] =	vst v63  }
0x14a: {  	s31 =	sadd.s32 $0x1FD4, s24  }
0x14b: {  	[tilespmem:s14], [sflag:$0x1] =	stream.linear.gather [hbm4b:s31+s26], $0x2840, $0x38;
	[tilespmem:$0x1B900] =	vst v63  }
0x14c: {  	_ =	swait.ge [sflag:s20], $0x1880  }
0x14d: {  	[sflag:s20] =	ssyncset.done $0x0  }
0x14e: {  	s25 =	simm.s32 $0x0;
	[sflag:s20] =	ssyncadd.s32 $0xFFFFE780  }
0x14f: {  	v1 =	vld [tilespmem:s25+$0x16FF0]  }
0x150: {  	v2 =	vld [tilespmem:s25+$0x16F80]  }
0x151: {  	v3 =	vld [tilespmem:s25+$0x16F90]  }
0x152: {  	v4 =	vld [tilespmem:s25+$0x16FA0]  }
0x153: {  	v7 =	vld [tilespmem:s25+$0x16FB0]  }
0x154: {  	v8 =	vld [tilespmem:s25+$0x16FC0]  }
0x155: {  	v9 =	vld [tilespmem:s25+$0x16FD0]  }
0x156: {  	v0 =	vld [tilespmem:s25+$0x16FE0]  }
0x157: {  	v10 =	vld.idx.msk [tilespmem:v1+s3+$0x0], $0xffff  }
0x158: {  	v6 =	vld.idx.msk [tilespmem:v2+s3+$0x0], $0xffff  }
0x159: {  	v5 =	vld.idx.msk [tilespmem:v3+s3+$0x0], $0xffff  }
0x15a: {  	v4 =	vld.idx.msk [tilespmem:v4+s3+$0x0], $0xffff  }
0x15b: {  	v3 =	vld.idx.msk [tilespmem:v7+s3+$0x0], $0xffff  }
0x15c: {  	v1 =	vld.idx.msk [tilespmem:v8+s3+$0x0], $0xffff  }
0x15d: {  	s28 =	simm.s32 $0x200;
	s26 =	simm.s32 $0x0;
	v2 =	vld.idx.msk [tilespmem:v9+s3+$0x0], $0xffff;
	[tilespmem:s25+$0x1A0F0] =	vst v10  }
.LBB2_17:
0x15e: {  	s29 =	sshra.s32 s28, $0x2;
	s26 =	sadd.s32 $0x8, s26;
	[tilespmem:s25+$0x1A080] =	vst v6;
	v0 =	vld.idx.msk [tilespmem:v0+s3+$0x0], $0xffff  }
0x15f: {  	v6 =	vld [tilespmem:s29+$0x16FF0];
	p0 =	slt.u32 s26, $0x180;
	[tilespmem:s25+$0x1A090] =	vst v5  }
0x160: {  	v5 =	vld [tilespmem:s29+$0x16F80];
	[tilespmem:s25+$0x1A0A0] =	vst v4  }
0x161: {  	v4 =	vld [tilespmem:s29+$0x16F90];
	[tilespmem:s25+$0x1A0B0] =	vst v3  }
0x162: {  	v3 =	vld [tilespmem:s29+$0x16FA0];
	[tilespmem:s25+$0x1A0C0] =	vst v1  }
0x163: {  	v1 =	vld [tilespmem:s29+$0x16FB0];
	[tilespmem:s25+$0x1A0D0] =	vst v2  }
0x164: {  	v2 =	vld [tilespmem:s29+$0x16FC0];
	[tilespmem:s25+$0x1A0E0] =	vst v0;
	s25 =	smov.u32 s29  }
0x165: {  	v7 =	vld [tilespmem:s25+$0x16FD0]  }
0x166: {  	v0 =	vld [tilespmem:s25+$0x16FE0]  }
0x167: {  	v8 =	vld.idx.msk [tilespmem:v6+s3+$0x0], $0xffff  }
0x168: {  	v6 =	vld.idx.msk [tilespmem:v5+s3+$0x0], $0xffff  }
.Ltmp7:
0x169: {  	v5 =	vld.idx.msk [tilespmem:v4+s3+$0x0], $0xffff;
	(pc) =	sbr.rel @p0 .LBB2_17-.Ltmp7, $4  }
0x16a: {  	v4 =	vld.idx.msk [tilespmem:v3+s3+$0x0], $0xffff  }
0x16b: {  	v3 =	vld.idx.msk [tilespmem:v1+s3+$0x0], $0xffff  }
0x16c: {  	v1 =	vld.idx.msk [tilespmem:v2+s3+$0x0], $0xffff  }
0x16d: {  	s28 =	sadd.s32 $0x200, s28;
	v2 =	vld.idx.msk [tilespmem:v7+s3+$0x0], $0xffff;
	[tilespmem:s25+$0x1A0F0] =	vst v8  }
0x16e: {  	_ =	sdelay $0x2  }
0x16f: {  	[tilespmem:s25+$0x1A080] =	vst v6  }
0x170: {  	v0 =	vld.idx.msk [tilespmem:v0+s3+$0x0], $0xffff;
	[tilespmem:s25+$0x1A090] =	vst v5  }
0x171: {  	[tilespmem:s25+$0x1A0A0] =	vst v4  }
0x172: {  	[tilespmem:s25+$0x1A0B0] =	vst v3  }
0x173: {  	[tilespmem:s25+$0x1A0C0] =	vst v1  }
0x174: {  	[tilespmem:s25+$0x1A0D0] =	vst v2  }
0x175: {  	s23 =	sadd.s32 $0x1570, s23;
	[tilespmem:s25+$0x1A0E0] =	vst v0  }
0x176: {  	[hbm4b:s23+s3] =	stream.linear.scatter [tilespmem:s19], [sflag:$0x2], $0x1880, $0x38;
	[tilespmem:$0x1B900] =	vst v63  }
0x177: {  	s30 =	sadd.s32 $0x24DC, s24  }
0x178: {  	[tilespmem:s15], [sflag:$0x1] =	stream.linear.gather [hbm4b:s30+s3], $0x3020, $0x38;
	[tilespmem:$0x1B900] =	vst v63  }
0x179: {  	s31 =	sadd.s32 $0x2AE0, s24;
	s22 =	sadd.s32 $0x1, s22  }
0x17a: {  	[tilespmem:s16], [sflag:$0x1] =	stream.linear.gather [hbm4b:s31+s3], $0x3100, $0x38;
	[tilespmem:$0x1B900] =	vst v63  }
0x17b: {  	p0 =	sne.s32 s22, $0x18;
	_ =	swait.ge [sflag:s20], $0x1880  }
.Ltmp8:
0x17c: {  	[sflag:s20] =	ssyncset.done $0x0;
	(pc) =	sbr.rel @p0 .LBB2_2-.Ltmp8, $4  }
0x17d: {  	[sflag:s20] =	ssyncadd.s32 $0xFFFFE780  }
0x17e: {  	_ =	swait.ge [sflag:s20], $0x1880  }
0x17f: {  	[sflag:s20] =	ssyncset.done $0x0  }
0x180: {  	[sflag:s20] =	ssyncadd.s32 $0xFFFFE780  }
0x181: {  	_ =	swait.ge [sflag:s17], $0x3AA0  }
0x182: {  	[sflag:s17] =	ssyncset.done $0x0  }
0x183: {  	[sflag:s17] =	ssyncadd.s32 $0xFFFFC560  }
0x184: {  	_ =	swait.ge [sflag:s17], $0x2840  }
0x185: {  	[sflag:s17] =	ssyncset.done $0x0  }
0x186: {  	s21 =	sadd.s32 $0x1, s21;
	[sflag:s17] =	ssyncadd.s32 $0xFFFFD7C0  }
0x187: {  	p0 =	sne.s32 s21, s11;
	_ =	swait.ge [sflag:s17], $0x3020  }
.Ltmp9:
0x188: {  	[sflag:s17] =	ssyncset.done $0x0;
	(pc) =	sbr.rel @p0 .LBB2_1-.Ltmp9, $4  }
0x189: {  	[sflag:s17] =	ssyncadd.s32 $0xFFFFCFE0  }
0x18a: {  	_ =	swait.ge [sflag:s17], $0x3100  }
0x18b: {  	[sflag:s17] =	ssyncset.done $0x0  }
0x18c: {  	[sflag:s17] =	ssyncadd.s32 $0xFFFFCF00  }
0x18d: {  	_ =	sfence.sel $0x180000  }
0x18e: {  	[bflag:$0x0] =	sbarrier.arrive $0xFFFF  }
0x18f: {  	p0 =	sne.s32 s0, $0x0;
	_ =	strace $0x90000047  }
0x190: {  	s0 =	sadd.s32 @!p0 $0x100000, s1;
	[bflag:$0x2] =	sbarrier.arrive $0xFFFF  }
0x191: {  	[sflag:s0] =	ssyncadd.tile.s32 @!p0 $0x1;
	_ =	shalt  }
.Lfunc_end2:
_tile_overlayer_lowered:
.L_overlay_start_2:
0x192: {  	(tag) =	ssettag $0x2  }
0x193: {  	s0 =	rddreg [dreg:$0x0];
	s2 =	stileid.u32  }
0x194: {  	s1 =	rddreg [dreg:$0x1];
	p0 =	sne.s32 s2, $0x0  }
0x195: {  	s3 =	rddreg [dreg:$0x2];
	[bflag:$0x3] =	sbarrier.arrive $0xFFFF;
	s2 =	simm.s32 @!p0 $0x1C03  }
0x196: {  	[timem:s3], [sflag:s2] =	dma.local @!p0 [hbm:s0], s1  }
0x197: {  	s0 =	simm.s32 @!p0 $0x3  }
0x198: {  	_ =	swait.ge @!p0 [sflag:s0], s1  }
0x199: {  	s1 =	ssub.s32 @!p0 $0x0, s1;
	[sflag:s0] =	ssyncset.done @!p0 $0x0  }
0x19a: {  	[sflag:s0] =	ssyncadd.s32 @!p0 s1  }
0x19b: {  	[bflag:$0x3] =	sbarrier.arrive $0xFFFF  }
0x19c: {  	_ =	shalt  }

</sc_bundles>
